<compile_context>
chip_gen: v7x
topology: tpu7x:2x2x1
jax: 0.10.2.dev20260603
libtpu: 0.0.44.dev20260713+nightly
codegen_flags: <defaults>
</compile_context>

<pallas_src>
import functools

import jax
import jax.numpy as jnp
from jax import lax
from jax.experimental import pallas as pl
from jax.experimental.pallas import tpu as pltpu
from jax.experimental.pallas import tpu_sc as plsc

N = 10000
D = 128
E = 320000

NC, NS = 2, 16
NW = NC * NS
CH = 125

EPT_D = E // NW
NCH_D = EPT_D // CH

EPT_S = E // NS
NCH_S = EPT_S // CH

HN = N // 2
AROWS = HN + NS
RPS = 312
ZR = 104

_MESH = plsc.VectorSubcoreMesh(
    core_axis_name="c", subcore_axis_name="s", num_cores=NC, num_subcores=NS
)


def _deg_sc(dst3):

    @functools.partial(
        pl.kernel,
        out_type=[jax.ShapeDtypeStruct((N,), jnp.float32)] * 2,
        mesh=_MESH,
        scratch_types=[
            pltpu.VMEM((NCH_D, CH), jnp.int32),
            pltpu.VMEM((128,), jnp.float32),
            pltpu.VMEM((N,), jnp.float32),
            pltpu.VMEM_SHARED((N,), jnp.float32),
        ],
    )
    def k(dst_hbm, out0, out1, idxv, ones, zstage, acc):
        cid = lax.axis_index("c")
        sid = lax.axis_index("s")
        wid = sid * NC + cid
        pltpu.sync_copy(dst_hbm.at[wid], idxv)

        one = jnp.full((16,), 1.0, jnp.float32)

        @pl.loop(0, 128, step=16)
        def _(i):
            ones[pl.ds(i, 16)] = one

        @pl.when(sid == 0)
        def _():
            zero = jnp.zeros((16,), jnp.float32)

            @pl.loop(0, N, step=16)
            def _(i):
                zstage[pl.ds(i, 16)] = zero

            pltpu.sync_copy(zstage, acc)

        plsc.subcore_barrier()

        @pl.loop(0, NCH_D)
        def _(j):
            pltpu.sync_copy(ones.at[pl.ds(0, CH)], acc.at[idxv.at[j]], add=True)

        plsc.subcore_barrier()

        @pl.when((sid == 0) & (cid == 0))
        def _():
            pltpu.sync_copy(acc, out0)

        @pl.when((sid == 0) & (cid == 1))
        def _():
            pltpu.sync_copy(acc, out1)

    return k(dst3)


def _scat_sc(h, src3, dst4):

    @functools.partial(
        pl.kernel,
        out_type=jax.ShapeDtypeStruct((N, D), jnp.float32),
        mesh=_MESH,
        scratch_types=[
            pltpu.VMEM((NCH_S, CH), jnp.int32),
            pltpu.VMEM((NCH_S, CH), jnp.int32),
            pltpu.VMEM((CH, D), jnp.float32),
            pltpu.VMEM((CH, D), jnp.float32),
            pltpu.VMEM((ZR, D), jnp.float32),
            pltpu.VMEM_SHARED((AROWS, D), jnp.float32),
            pltpu.SemaphoreType.DMA,
            pltpu.SemaphoreType.DMA,
        ],
    )
    def k(h_hbm, src_hbm, dst_hbm, out, srcv, dstv, buf0, buf1,
          zbuf, acc, sem0, sem1):
        cid = lax.axis_index("c")
        sid = lax.axis_index("s")
        pltpu.sync_copy(src_hbm.at[sid], srcv)
        pltpu.sync_copy(dst_hbm.at[cid, sid], dstv)

        zero = jnp.zeros((16,), jnp.float32)

        @pl.loop(0, ZR)
        def _(r):
            @pl.loop(0, D, step=16)
            def _(c):
                zbuf[r, pl.ds(c, 16)] = zero

        @pl.loop(0, RPS, step=ZR)
        def _(r):
            pltpu.sync_copy(zbuf, acc.at[pl.ds(sid * RPS + r, ZR)])

        @pl.when(sid == NS - 1)
        def _():
            pltpu.sync_copy(zbuf.at[pl.ds(0, AROWS - NS * RPS)],
                            acc.at[pl.ds(NS * RPS, AROWS - NS * RPS)])

        plsc.subcore_barrier()

        pltpu.async_copy(h_hbm.at[srcv.at[0]], buf0, sem0)
        pltpu.async_copy(h_hbm.at[srcv.at[1]], buf1, sem1)

        @pl.loop(0, NCH_S, step=2)
        def _(j):
            pltpu.make_async_copy(h_hbm.at[srcv.at[j]], buf0, sem0).wait()
            pltpu.sync_copy(buf0, acc.at[dstv.at[j]], add=True)

            @pl.when(j + 2 < NCH_S)
            def _():
                pltpu.async_copy(h_hbm.at[srcv.at[j + 2]], buf0, sem0)

            pltpu.make_async_copy(h_hbm.at[srcv.at[j + 1]], buf1, sem1).wait()
            pltpu.sync_copy(buf1, acc.at[dstv.at[j + 1]], add=True)

            @pl.when(j + 3 < NCH_S)
            def _():
                pltpu.async_copy(h_hbm.at[srcv.at[j + 3]], buf1, sem1)

        plsc.subcore_barrier()

        pltpu.sync_copy(acc.at[pl.ds(sid * RPS, RPS)],
                        out.at[pl.ds(cid * HN + sid * RPS, RPS)])

        @pl.when(sid == NS - 1)
        def _():
            pltpu.sync_copy(acc.at[pl.ds(NS * RPS, HN - NS * RPS)],
                            out.at[pl.ds(cid * HN + NS * RPS, HN - NS * RPS)])

    return k(h, src3, dst4)


_BLK = 1000
_GRID = N // _BLK


def _tc_first(x, W1, deg0, deg1):

    def body(x_ref, w_ref, d0_ref, d1_ref, dis_ref, h_ref):
        deg = d0_ref[...] + d1_ref[...] + 1.0
        dis = 1.0 / jnp.sqrt(deg)
        dis_ref[...] = dis
        h_ref[...] = jnp.dot(
            x_ref[...], w_ref[...], preferred_element_type=jnp.float32) * dis

    return pl.pallas_call(
        body,
        grid=(_GRID,),
        in_specs=[
            pl.BlockSpec((_BLK, D), lambda i: (i, 0)),
            pl.BlockSpec((D, D), lambda i: (0, 0)),
            pl.BlockSpec((_BLK, 1), lambda i: (i, 0)),
            pl.BlockSpec((_BLK, 1), lambda i: (i, 0)),
        ],
        out_specs=[
            pl.BlockSpec((_BLK, 1), lambda i: (i, 0)),
            pl.BlockSpec((_BLK, D), lambda i: (i, 0)),
        ],
        out_shape=[
            jax.ShapeDtypeStruct((N, 1), jnp.float32),
            jax.ShapeDtypeStruct((N, D), jnp.float32),
        ],
    )(x, W1, deg0, deg1)


def _tc_mid(agg, hp, dis, b, Wn):

    def body(agg_ref, hp_ref, dis_ref, b_ref, w_ref, o_ref):
        z = dis_ref[...] * (agg_ref[...] + hp_ref[...]) + b_ref[...]
        y = jnp.maximum(z, 0.0)
        o_ref[...] = jnp.dot(
            y, w_ref[...], preferred_element_type=jnp.float32) * dis_ref[...]

    return pl.pallas_call(
        body,
        grid=(_GRID,),
        in_specs=[
            pl.BlockSpec((_BLK, D), lambda i: (i, 0)),
            pl.BlockSpec((_BLK, D), lambda i: (i, 0)),
            pl.BlockSpec((_BLK, 1), lambda i: (i, 0)),
            pl.BlockSpec((1, D), lambda i: (0, 0)),
            pl.BlockSpec((D, D), lambda i: (0, 0)),
        ],
        out_specs=pl.BlockSpec((_BLK, D), lambda i: (i, 0)),
        out_shape=jax.ShapeDtypeStruct((N, D), jnp.float32),
    )(agg, hp, dis, b, Wn)


def _tc_last(agg, hp, dis, b):

    def body(agg_ref, hp_ref, dis_ref, b_ref, o_ref):
        o_ref[...] = dis_ref[...] * (agg_ref[...] + hp_ref[...]) + b_ref[...]

    return pl.pallas_call(
        body,
        grid=(_GRID,),
        in_specs=[
            pl.BlockSpec((_BLK, D), lambda i: (i, 0)),
            pl.BlockSpec((_BLK, D), lambda i: (i, 0)),
            pl.BlockSpec((_BLK, 1), lambda i: (i, 0)),
            pl.BlockSpec((1, D), lambda i: (0, 0)),
        ],
        out_specs=pl.BlockSpec((_BLK, D), lambda i: (i, 0)),
        out_shape=jax.ShapeDtypeStruct((N, D), jnp.float32),
    )(agg, hp, dis, b)


def kernel(x, edge_index, W1, b1, W2, b2, W3, b3):
    src = edge_index[0].astype(jnp.int32)
    dst = edge_index[1].astype(jnp.int32)

    dst32 = dst.reshape(NW, NCH_D, CH)
    src3 = src.reshape(NS, NCH_S, CH)

    dst16 = dst.reshape(NS, NCH_S, CH)
    trash = HN + jax.lax.broadcasted_iota(jnp.int32, (NS, NCH_S, CH), 0)
    dst_c0 = jnp.where(dst16 < HN, dst16, trash)
    dst_c1 = jnp.where(dst16 >= HN, dst16 - HN, trash)
    dst4 = jnp.stack([dst_c0, dst_c1])

    deg0, deg1 = _deg_sc(dst32)
    dis, h1 = _tc_first(x, W1, deg0.reshape(N, 1), deg1.reshape(N, 1))

    agg = _scat_sc(h1, src3, dst4)
    h2 = _tc_mid(agg, h1, dis, b1.reshape(1, D), W2)

    agg = _scat_sc(h2, src3, dst4)
    h3 = _tc_mid(agg, h2, dis, b2.reshape(1, D), W3)

    agg = _scat_sc(h3, src3, dst4)
    return _tc_last(agg, h3, dis, b3.reshape(1, D))

# --- scband reference (transcript-rebuilt; emitter-appended) ---
"""Pipeline reference for scband-gcn-90778428768456 (READ-ONLY COPY).

The authoritative reference and input builder live on the scoring server;
editing this copy changes nothing except your own understanding.
"""

import jax, jax.numpy as jnp
import numpy as np

N_NODES = 10000
D_FEAT = 128
N_EDGES = 320000


def _glorot(key, shape):
    fan_in, fan_out = shape[0], shape[1]
    limit = jnp.sqrt(6.0 / (fan_in + fan_out))
    return jax.random.uniform(key, shape, jnp.float32, -limit, limit)


def setup_inputs(seed: int = 0) -> dict:
    key = jax.random.key(seed)
    k = jax.random.split(key, 8)
    x = jax.random.normal(k[0], (N_NODES, D_FEAT), dtype=jnp.float32)
    edge_index = jax.random.randint(k[1], (2, N_EDGES), 0, N_NODES, dtype=jnp.int64)
    W1 = _glorot(k[2], (D_FEAT, D_FEAT))
    b1 = jnp.zeros((D_FEAT,), jnp.float32)
    W2 = _glorot(k[3], (D_FEAT, D_FEAT))
    b2 = jnp.zeros((D_FEAT,), jnp.float32)
    W3 = _glorot(k[4], (D_FEAT, D_FEAT))
    b3 = jnp.zeros((D_FEAT,), jnp.float32)
    return {"x": x, "edge_index": edge_index, "W1": W1, "b1": b1, "W2": W2, "b2": b2, "W3": W3, "b3": b3}


def _gcn_conv(x, edge_index, W, b):
    # Faithful to PyG GCNConv: add self loops, symmetric normalization, sum aggregation.
    n = x.shape[0]
    src = edge_index[0]
    dst = edge_index[1]
    loop = jnp.arange(n, dtype=src.dtype)
    src = jnp.concatenate([src, loop])
    dst = jnp.concatenate([dst, loop])
    ew = jnp.ones(src.shape[0], dtype=x.dtype)
    deg = jnp.zeros((n,), x.dtype).at[dst].add(ew)
    deg_inv_sqrt = jnp.where(deg > 0, 1.0 / jnp.sqrt(deg), 0.0)
    norm = deg_inv_sqrt[src] * ew * deg_inv_sqrt[dst]
    h = x @ W
    msg = h[src] * norm[:, None]
    out = jnp.zeros((n, h.shape[1]), h.dtype).at[dst].add(msg)
    return out + b


def reference(x, edge_index, W1, b1, W2, b2, W3, b3):
    h = jax.nn.relu(_gcn_conv(x, edge_index, W1, b1))
    h = jax.nn.relu(_gcn_conv(h, edge_index, W2, b2))
    h = _gcn_conv(h, edge_index, W3, b3)
    return h

if __name__ == "__main__":
    import jax
    _d = setup_inputs()
    print(jax.jit(kernel)(*tuple(_d.values())))

</pallas_src>

<mosaic_0001>
#map = affine_map<(d0, d1) -> (0, 0, 0)>
#map1 = affine_map<(d0, d1) -> (0)>
module attributes {stable_mosaic.version = 14 : i64} {
  func.func @k(%arg0: i32, %arg1: i32, %arg2: memref<32x80x125xi32, #tpu.memory_space<hbm>>, %arg3: memref<10000xf32, #tpu.memory_space<hbm>>, %arg4: memref<10000xf32, #tpu.memory_space<hbm>>, %arg5: memref<80x125xi32, #tpu.memory_space<vmem>>, %arg6: memref<128xf32, #tpu.memory_space<vmem>>, %arg7: memref<10000xf32, #tpu.memory_space<vmem>>, %arg8: memref<10000xf32, #tpu.memory_space<vmem_shared>>) attributes {dimension_semantics = [#tpu.dimension_semantics<core_parallel>, #tpu.dimension_semantics<subcore_parallel>], iteration_bounds = array<i64: 2, 16>, scalar_prefetch = 0 : i64, scratch_operands = 4 : i64, tpu.core_type = #tpu.core_type<sc_vector_subcore>, window_params = [{transform_indices = #map}, {transform_indices = #map1}, {transform_indices = #map1}]} {
    %mul3A = arith.constant 2 : i32
    %mul3A_0 = arith.muli %arg1, %mul3A : i32
    %add3A = arith.addi %mul3A_0, %arg0 : i32
    "tpu.region"() ({
      %run_scoped3A = tpu.sem_alloc : memref<!tpu.dma_semaphore, #tpu.memory_space<semaphore_mem>>
      %dma_start3A = arith.constant 0 : i32
      %dma_start3A_29 = arith.constant 0 : i32
      %dma_start3A_30 = tpu.memref_slice %arg2[%add3A, %dma_start3A, %dma_start3A_29] : memref<32x80x125xi32, #tpu.memory_space<hbm>> -> memref<1x80x125xi32, #tpu.memory_space<hbm>>
      %dma_start3A_31 = tpu.memref_squeeze %dma_start3A_30 : memref<1x80x125xi32, #tpu.memory_space<hbm>> -> memref<80x125xi32, #tpu.memory_space<hbm>>
      %dma_start3A_32 = arith.constant 0 : i32
      %dma_start3A_33 = arith.constant 0 : i32
      %dma_start3A_34 = tpu.memref_slice %arg2[%add3A, %dma_start3A_32, %dma_start3A_33] : memref<32x80x125xi32, #tpu.memory_space<hbm>> -> memref<1x80x125xi32, #tpu.memory_space<hbm>>
      %dma_start3A_35 = tpu.memref_squeeze %dma_start3A_34 : memref<1x80x125xi32, #tpu.memory_space<hbm>> -> memref<80x125xi32, #tpu.memory_space<hbm>>
      tpu.enqueue_dma source(%dma_start3A_35 : memref<80x125xi32, #tpu.memory_space<hbm>>) target(%arg5 : memref<80x125xi32, #tpu.memory_space<vmem>>) target_semaphore(%run_scoped3A : memref<!tpu.dma_semaphore, #tpu.memory_space<semaphore_mem>>)
      %dma_wait3A = arith.constant 0 : i32
      %dma_wait3A_36 = arith.constant 0 : i32
      %dma_wait3A_37 = tpu.memref_slice %arg2[%add3A, %dma_wait3A, %dma_wait3A_36] : memref<32x80x125xi32, #tpu.memory_space<hbm>> -> memref<1x80x125xi32, #tpu.memory_space<hbm>>
      %dma_wait3A_38 = tpu.memref_squeeze %dma_wait3A_37 : memref<1x80x125xi32, #tpu.memory_space<hbm>> -> memref<80x125xi32, #tpu.memory_space<hbm>>
      %dma_wait3A_39 = arith.constant 0 : i32
      %dma_wait3A_40 = arith.constant 0 : i32
      %dma_wait3A_41 = tpu.memref_slice %arg2[%add3A, %dma_wait3A_39, %dma_wait3A_40] : memref<32x80x125xi32, #tpu.memory_space<hbm>> -> memref<1x80x125xi32, #tpu.memory_space<hbm>>
      %dma_wait3A_42 = tpu.memref_squeeze %dma_wait3A_41 : memref<1x80x125xi32, #tpu.memory_space<hbm>> -> memref<80x125xi32, #tpu.memory_space<hbm>>
      tpu.wait_dma2 semaphore(%run_scoped3A : memref<!tpu.dma_semaphore, #tpu.memory_space<semaphore_mem>>) src(%dma_wait3A_42 : memref<80x125xi32, #tpu.memory_space<hbm>>) dst(%arg5 : memref<80x125xi32, #tpu.memory_space<vmem>>)
      tpu.yield
    }) : () -> ()
    %broadcast_in_dim3A = arith.constant 1.000000e+00 : f32
    %broadcast_in_dim3A_1 = vector.broadcast %broadcast_in_dim3A : f32 to vector<16xf32>
    %scan3A = arith.constant 0 : i32
    %scan3A_2 = arith.constant 8 : i32
    %scan3A_3 = arith.addi %scan3A, %scan3A_2 : i32
    %scan3A_4 = arith.constant 1 : i32
    scf.for %scan3A_29 = %scan3A to %scan3A_3 step %scan3A_4  : i32 {
      %mul3A_30 = arith.constant 16 : i32
      %mul3A_31 = arith.muli %scan3A_29, %mul3A_30 : i32
      %add3A_32 = arith.constant 0 : i32
      %add3A_33 = arith.addi %add3A_32, %mul3A_31 : i32
      %swap3A = arith.index_cast %add3A_33 : i32 to index
      %swap3A_34 = tpu.vector_load %arg6[%swap3A] {strides = array<i32>} : memref<128xf32, #tpu.memory_space<vmem>>, vector<16xf32>,
      %swap3A_35 = vector.shape_cast %swap3A_34 : vector<16xf32> to vector<16xf32>
      %swap3A_36 = vector.shape_cast %broadcast_in_dim3A_1 : vector<16xf32> to vector<16xf32>
      tpu.vector_store %arg6[%swap3A], %swap3A_36 {strides = array<i32>} : memref<128xf32, #tpu.memory_space<vmem>>, vector<16xf32>,
    }
    %scan3A_5 = arith.constant 8 : i32
    %eq3A = arith.constant 0 : i32
    %eq3A_6 = arith.cmpi eq, %arg1, %eq3A : i32
    %convert_element_type3A = arith.extui %eq3A_6 : i1 to i32
    %cond3A = arith.constant 0 : i32
    %cond3A_7 = arith.cmpi ne, %convert_element_type3A, %cond3A : i32
    scf.if %cond3A_7 {
      %broadcast_in_dim3A_29 = arith.constant 0.000000e+00 : f32
      %broadcast_in_dim3A_30 = vector.broadcast %broadcast_in_dim3A_29 : f32 to vector<16xf32>
      %scan3A_31 = arith.constant 0 : i32
      %scan3A_32 = arith.constant 625 : i32
      %scan3A_33 = arith.addi %scan3A_31, %scan3A_32 : i32
      %scan3A_34 = arith.constant 1 : i32
      scf.for %scan3A_36 = %scan3A_31 to %scan3A_33 step %scan3A_34  : i32 {
        %mul3A_37 = arith.constant 16 : i32
        %mul3A_38 = arith.muli %scan3A_36, %mul3A_37 : i32
        %add3A_39 = arith.constant 0 : i32
        %add3A_40 = arith.addi %add3A_39, %mul3A_38 : i32
        %swap3A = arith.index_cast %add3A_40 : i32 to index
        %swap3A_41 = tpu.vector_load %arg7[%swap3A] {strides = array<i32>} : memref<10000xf32, #tpu.memory_space<vmem>>, vector<16xf32>,
        %swap3A_42 = vector.shape_cast %swap3A_41 : vector<16xf32> to vector<16xf32>
        %swap3A_43 = vector.shape_cast %broadcast_in_dim3A_30 : vector<16xf32> to vector<16xf32>
        tpu.vector_store %arg7[%swap3A], %swap3A_43 {strides = array<i32>} : memref<10000xf32, #tpu.memory_space<vmem>>, vector<16xf32>,
      }
      %scan3A_35 = arith.constant 625 : i32
      "tpu.region"() ({
        %run_scoped3A = tpu.sem_alloc : memref<!tpu.dma_semaphore, #tpu.memory_space<semaphore_mem>>
        tpu.enqueue_dma source(%arg7 : memref<10000xf32, #tpu.memory_space<vmem>>) target(%arg8 : memref<10000xf32, #tpu.memory_space<vmem_shared>>) target_semaphore(%run_scoped3A : memref<!tpu.dma_semaphore, #tpu.memory_space<semaphore_mem>>)
        tpu.wait_dma2 semaphore(%run_scoped3A : memref<!tpu.dma_semaphore, #tpu.memory_space<semaphore_mem>>) src(%arg7 : memref<10000xf32, #tpu.memory_space<vmem>>) dst(%arg8 : memref<10000xf32, #tpu.memory_space<vmem_shared>>)
        tpu.yield
      }) : () -> ()
    } else {
    }
    %barrier3A = arith.constant 0 : index
    tpu.barrier barrier_id(%barrier3A)
    %scan3A_8 = arith.constant 0 : i32
    %scan3A_9 = arith.constant 80 : i32
    %scan3A_10 = arith.addi %scan3A_8, %scan3A_9 : i32
    %scan3A_11 = arith.constant 1 : i32
    scf.for %scan3A_29 = %scan3A_8 to %scan3A_10 step %scan3A_11  : i32 {
      %mul3A_30 = arith.constant 1 : i32
      %mul3A_31 = arith.muli %scan3A_29, %mul3A_30 : i32
      %add3A_32 = arith.constant 0 : i32
      %add3A_33 = arith.addi %add3A_32, %mul3A_31 : i32
      "tpu.region"() ({
        %run_scoped3A = tpu.sem_alloc : memref<!tpu.dma_semaphore, #tpu.memory_space<semaphore_mem>>
        %dma_start3A = arith.constant 0 : i32
        %dma_start3A_34 = tpu.memref_slice %arg6[%dma_start3A] : memref<128xf32, #tpu.memory_space<vmem>> -> memref<125xf32, #tpu.memory_space<vmem>>
        %dma_start3A_35 = arith.constant 0 : i32
        %dma_start3A_36 = tpu.memref_slice %arg5[%add3A_33, %dma_start3A_35] : memref<80x125xi32, #tpu.memory_space<vmem>> -> memref<1x125xi32, #tpu.memory_space<vmem>>
        %dma_start3A_37 = tpu.memref_squeeze %dma_start3A_36 : memref<1x125xi32, #tpu.memory_space<vmem>> -> memref<125xi32, #tpu.memory_space<vmem>>
        %dma_start3A_38 = arith.constant 0 : i32
        %dma_start3A_39 = tpu.memref_slice %arg8[%dma_start3A_38] : memref<10000xf32, #tpu.memory_space<vmem_shared>> -> memref<10000xf32, #tpu.memory_space<vmem_shared>>
        tpu.enqueue_indirect_dma source(%dma_start3A_34 : memref<125xf32, #tpu.memory_space<vmem>>) target(%dma_start3A_39 : memref<10000xf32, #tpu.memory_space<vmem_shared>>) offsets(%dma_start3A_37 : memref<125xi32, #tpu.memory_space<vmem>>) semaphore(%run_scoped3A : memref<!tpu.dma_semaphore, #tpu.memory_space<semaphore_mem>>) {add = true}
        %dma_wait3A = arith.constant 0 : i32
        %dma_wait3A_40 = tpu.memref_slice %arg6[%dma_wait3A] : memref<128xf32, #tpu.memory_space<vmem>> -> memref<125xf32, #tpu.memory_space<vmem>>
        %dma_wait3A_41 = arith.constant 0 : i32
        %dma_wait3A_42 = tpu.memref_slice %arg5[%add3A_33, %dma_wait3A_41] : memref<80x125xi32, #tpu.memory_space<vmem>> -> memref<1x125xi32, #tpu.memory_space<vmem>>
        %dma_wait3A_43 = tpu.memref_squeeze %dma_wait3A_42 : memref<1x125xi32, #tpu.memory_space<vmem>> -> memref<125xi32, #tpu.memory_space<vmem>>
        %dma_wait3A_44 = arith.constant 0 : i32
        %dma_wait3A_45 = tpu.memref_slice %arg8[%dma_wait3A_44] : memref<10000xf32, #tpu.memory_space<vmem_shared>> -> memref<10000xf32, #tpu.memory_space<vmem_shared>>
        tpu.wait_indirect_dma semaphore(%run_scoped3A : memref<!tpu.dma_semaphore, #tpu.memory_space<semaphore_mem>>) src(%dma_wait3A_40 : memref<125xf32, #tpu.memory_space<vmem>>) dst(%dma_wait3A_45 : memref<10000xf32, #tpu.memory_space<vmem_shared>>)
        tpu.yield
      }) : () -> ()
    }
    %scan3A_12 = arith.constant 80 : i32
    %barrier3A_13 = arith.constant 0 : index
    tpu.barrier barrier_id(%barrier3A_13)
    %eq3A_14 = arith.constant 0 : i32
    %eq3A_15 = arith.cmpi eq, %arg1, %eq3A_14 : i32
    %eq3A_16 = arith.constant 0 : i32
    %eq3A_17 = arith.cmpi eq, %arg0, %eq3A_16 : i32
    %and3A = arith.andi %eq3A_15, %eq3A_17 : i1
    %convert_element_type3A_18 = arith.extui %and3A : i1 to i32
    %cond3A_19 = arith.constant 0 : i32
    %cond3A_20 = arith.cmpi ne, %convert_element_type3A_18, %cond3A_19 : i32
    scf.if %cond3A_20 {
      "tpu.region"() ({
        %run_scoped3A = tpu.sem_alloc : memref<!tpu.dma_semaphore, #tpu.memory_space<semaphore_mem>>
        tpu.enqueue_dma source(%arg8 : memref<10000xf32, #tpu.memory_space<vmem_shared>>) target(%arg3 : memref<10000xf32, #tpu.memory_space<hbm>>) target_semaphore(%run_scoped3A : memref<!tpu.dma_semaphore, #tpu.memory_space<semaphore_mem>>)
        tpu.wait_dma2 semaphore(%run_scoped3A : memref<!tpu.dma_semaphore, #tpu.memory_space<semaphore_mem>>) src(%arg8 : memref<10000xf32, #tpu.memory_space<vmem_shared>>) dst(%arg3 : memref<10000xf32, #tpu.memory_space<hbm>>)
        tpu.yield
      }) : () -> ()
    } else {
    }
    %eq3A_21 = arith.constant 0 : i32
    %eq3A_22 = arith.cmpi eq, %arg1, %eq3A_21 : i32
    %eq3A_23 = arith.constant 1 : i32
    %eq3A_24 = arith.cmpi eq, %arg0, %eq3A_23 : i32
    %and3A_25 = arith.andi %eq3A_22, %eq3A_24 : i1
    %convert_element_type3A_26 = arith.extui %and3A_25 : i1 to i32
    %cond3A_27 = arith.constant 0 : i32
    %cond3A_28 = arith.cmpi ne, %convert_element_type3A_26, %cond3A_27 : i32
    scf.if %cond3A_28 {
      "tpu.region"() ({
        %run_scoped3A = tpu.sem_alloc : memref<!tpu.dma_semaphore, #tpu.memory_space<semaphore_mem>>
        tpu.enqueue_dma source(%arg8 : memref<10000xf32, #tpu.memory_space<vmem_shared>>) target(%arg4 : memref<10000xf32, #tpu.memory_space<hbm>>) target_semaphore(%run_scoped3A : memref<!tpu.dma_semaphore, #tpu.memory_space<semaphore_mem>>)
        tpu.wait_dma2 semaphore(%run_scoped3A : memref<!tpu.dma_semaphore, #tpu.memory_space<semaphore_mem>>) src(%arg8 : memref<10000xf32, #tpu.memory_space<vmem_shared>>) dst(%arg4 : memref<10000xf32, #tpu.memory_space<hbm>>)
        tpu.yield
      }) : () -> ()
    } else {
    }
    return
  }
}

#map = affine_map<(d0, d1) -> (0, 0)>
#map1 = affine_map<(d0, d1) -> (0, 0, 0)>
#map2 = affine_map<(d0, d1) -> (0, 0, 0, 0)>
module attributes {stable_mosaic.version = 14 : i64} {
  func.func @k(%arg0: i32, %arg1: i32, %arg2: memref<10000x128xf32, #tpu.memory_space<hbm>>, %arg3: memref<16x160x125xi32, #tpu.memory_space<hbm>>, %arg4: memref<2x16x160x125xi32, #tpu.memory_space<hbm>>, %arg5: memref<10000x128xf32, #tpu.memory_space<hbm>>, %arg6: memref<160x125xi32, #tpu.memory_space<vmem>>, %arg7: memref<160x125xi32, #tpu.memory_space<vmem>>, %arg8: memref<125x128xf32, #tpu.memory_space<vmem>>, %arg9: memref<125x128xf32, #tpu.memory_space<vmem>>, %arg10: memref<104x128xf32, #tpu.memory_space<vmem>>, %arg11: memref<5016x128xf32, #tpu.memory_space<vmem_shared>>, %arg12: memref<!tpu.dma_semaphore, #tpu.memory_space<semaphore_mem>>, %arg13: memref<!tpu.dma_semaphore, #tpu.memory_space<semaphore_mem>>) attributes {dimension_semantics = [#tpu.dimension_semantics<core_parallel>, #tpu.dimension_semantics<subcore_parallel>], iteration_bounds = array<i64: 2, 16>, scalar_prefetch = 0 : i64, scratch_operands = 8 : i64, tpu.core_type = #tpu.core_type<sc_vector_subcore>, window_params = [{transform_indices = #map}, {transform_indices = #map1}, {transform_indices = #map2}, {transform_indices = #map}]} {
    "tpu.region"() ({
      %run_scoped3A = tpu.sem_alloc : memref<!tpu.dma_semaphore, #tpu.memory_space<semaphore_mem>>
      %dma_start3A_41 = arith.constant 0 : i32
      %dma_start3A_42 = arith.constant 0 : i32
      %dma_start3A_43 = tpu.memref_slice %arg3[%arg1, %dma_start3A_41, %dma_start3A_42] : memref<16x160x125xi32, #tpu.memory_space<hbm>> -> memref<1x160x125xi32, #tpu.memory_space<hbm>>
      %dma_start3A_44 = tpu.memref_squeeze %dma_start3A_43 : memref<1x160x125xi32, #tpu.memory_space<hbm>> -> memref<160x125xi32, #tpu.memory_space<hbm>>
      %dma_start3A_45 = arith.constant 0 : i32
      %dma_start3A_46 = arith.constant 0 : i32
      %dma_start3A_47 = tpu.memref_slice %arg3[%arg1, %dma_start3A_45, %dma_start3A_46] : memref<16x160x125xi32, #tpu.memory_space<hbm>> -> memref<1x160x125xi32, #tpu.memory_space<hbm>>
      %dma_start3A_48 = tpu.memref_squeeze %dma_start3A_47 : memref<1x160x125xi32, #tpu.memory_space<hbm>> -> memref<160x125xi32, #tpu.memory_space<hbm>>
      tpu.enqueue_dma source(%dma_start3A_48 : memref<160x125xi32, #tpu.memory_space<hbm>>) target(%arg6 : memref<160x125xi32, #tpu.memory_space<vmem>>) target_semaphore(%run_scoped3A : memref<!tpu.dma_semaphore, #tpu.memory_space<semaphore_mem>>)
      %dma_wait3A = arith.constant 0 : i32
      %dma_wait3A_49 = arith.constant 0 : i32
      %dma_wait3A_50 = tpu.memref_slice %arg3[%arg1, %dma_wait3A, %dma_wait3A_49] : memref<16x160x125xi32, #tpu.memory_space<hbm>> -> memref<1x160x125xi32, #tpu.memory_space<hbm>>
      %dma_wait3A_51 = tpu.memref_squeeze %dma_wait3A_50 : memref<1x160x125xi32, #tpu.memory_space<hbm>> -> memref<160x125xi32, #tpu.memory_space<hbm>>
      %dma_wait3A_52 = arith.constant 0 : i32
      %dma_wait3A_53 = arith.constant 0 : i32
      %dma_wait3A_54 = tpu.memref_slice %arg3[%arg1, %dma_wait3A_52, %dma_wait3A_53] : memref<16x160x125xi32, #tpu.memory_space<hbm>> -> memref<1x160x125xi32, #tpu.memory_space<hbm>>
      %dma_wait3A_55 = tpu.memref_squeeze %dma_wait3A_54 : memref<1x160x125xi32, #tpu.memory_space<hbm>> -> memref<160x125xi32, #tpu.memory_space<hbm>>
      tpu.wait_dma2 semaphore(%run_scoped3A : memref<!tpu.dma_semaphore, #tpu.memory_space<semaphore_mem>>) src(%dma_wait3A_55 : memref<160x125xi32, #tpu.memory_space<hbm>>) dst(%arg6 : memref<160x125xi32, #tpu.memory_space<vmem>>)
      tpu.yield
    }) : () -> ()
    "tpu.region"() ({
      %run_scoped3A = tpu.sem_alloc : memref<!tpu.dma_semaphore, #tpu.memory_space<semaphore_mem>>
      %dma_start3A_41 = arith.constant 0 : i32
      %dma_start3A_42 = arith.constant 0 : i32
      %dma_start3A_43 = tpu.memref_slice %arg4[%arg0, %arg1, %dma_start3A_41, %dma_start3A_42] : memref<2x16x160x125xi32, #tpu.memory_space<hbm>> -> memref<1x1x160x125xi32, #tpu.memory_space<hbm>>
      %dma_start3A_44 = tpu.memref_squeeze %dma_start3A_43 : memref<1x1x160x125xi32, #tpu.memory_space<hbm>> -> memref<160x125xi32, #tpu.memory_space<hbm>>
      %dma_start3A_45 = arith.constant 0 : i32
      %dma_start3A_46 = arith.constant 0 : i32
      %dma_start3A_47 = tpu.memref_slice %arg4[%arg0, %arg1, %dma_start3A_45, %dma_start3A_46] : memref<2x16x160x125xi32, #tpu.memory_space<hbm>> -> memref<1x1x160x125xi32, #tpu.memory_space<hbm>>
      %dma_start3A_48 = tpu.memref_squeeze %dma_start3A_47 : memref<1x1x160x125xi32, #tpu.memory_space<hbm>> -> memref<160x125xi32, #tpu.memory_space<hbm>>
      tpu.enqueue_dma source(%dma_start3A_48 : memref<160x125xi32, #tpu.memory_space<hbm>>) target(%arg7 : memref<160x125xi32, #tpu.memory_space<vmem>>) target_semaphore(%run_scoped3A : memref<!tpu.dma_semaphore, #tpu.memory_space<semaphore_mem>>)
      %dma_wait3A = arith.constant 0 : i32
      %dma_wait3A_49 = arith.constant 0 : i32
      %dma_wait3A_50 = tpu.memref_slice %arg4[%arg0, %arg1, %dma_wait3A, %dma_wait3A_49] : memref<2x16x160x125xi32, #tpu.memory_space<hbm>> -> memref<1x1x160x125xi32, #tpu.memory_space<hbm>>
      %dma_wait3A_51 = tpu.memref_squeeze %dma_wait3A_50 : memref<1x1x160x125xi32, #tpu.memory_space<hbm>> -> memref<160x125xi32, #tpu.memory_space<hbm>>
      %dma_wait3A_52 = arith.constant 0 : i32
      %dma_wait3A_53 = arith.constant 0 : i32
      %dma_wait3A_54 = tpu.memref_slice %arg4[%arg0, %arg1, %dma_wait3A_52, %dma_wait3A_53] : memref<2x16x160x125xi32, #tpu.memory_space<hbm>> -> memref<1x1x160x125xi32, #tpu.memory_space<hbm>>
      %dma_wait3A_55 = tpu.memref_squeeze %dma_wait3A_54 : memref<1x1x160x125xi32, #tpu.memory_space<hbm>> -> memref<160x125xi32, #tpu.memory_space<hbm>>
      tpu.wait_dma2 semaphore(%run_scoped3A : memref<!tpu.dma_semaphore, #tpu.memory_space<semaphore_mem>>) src(%dma_wait3A_55 : memref<160x125xi32, #tpu.memory_space<hbm>>) dst(%arg7 : memref<160x125xi32, #tpu.memory_space<vmem>>)
      tpu.yield
    }) : () -> ()
    %broadcast_in_dim3A = arith.constant 0.000000e+00 : f32
    %broadcast_in_dim3A_0 = vector.broadcast %broadcast_in_dim3A : f32 to vector<16xf32>
    %scan3A = arith.constant 0 : i32
    %scan3A_1 = arith.constant 104 : i32
    %scan3A_2 = arith.addi %scan3A, %scan3A_1 : i32
    %scan3A_3 = arith.constant 1 : i32
    scf.for %scan3A_41 = %scan3A to %scan3A_2 step %scan3A_3  : i32 {
      %mul3A_42 = arith.constant 1 : i32
      %mul3A_43 = arith.muli %scan3A_41, %mul3A_42 : i32
      %add3A_44 = arith.constant 0 : i32
      %add3A_45 = arith.addi %add3A_44, %mul3A_43 : i32
      %scan3A_46 = arith.constant 0 : i32
      %scan3A_47 = arith.constant 8 : i32
      %scan3A_48 = arith.addi %scan3A_46, %scan3A_47 : i32
      %scan3A_49 = arith.constant 1 : i32
      scf.for %scan3A_51 = %scan3A_46 to %scan3A_48 step %scan3A_49  : i32 {
        %mul3A_52 = arith.constant 16 : i32
        %mul3A_53 = arith.muli %scan3A_51, %mul3A_52 : i32
        %add3A_54 = arith.constant 0 : i32
        %add3A_55 = arith.addi %add3A_54, %mul3A_53 : i32
        %swap3A = arith.index_cast %add3A_45 : i32 to index
        %swap3A_56 = arith.index_cast %add3A_55 : i32 to index
        %swap3A_57 = tpu.vector_load %arg10[%swap3A, %swap3A_56] {strides = array<i32>} : memref<104x128xf32, #tpu.memory_space<vmem>>, vector<1x16xf32>,
        %swap3A_58 = vector.shape_cast %swap3A_57 : vector<1x16xf32> to vector<16xf32>
        %swap3A_59 = vector.shape_cast %broadcast_in_dim3A_0 : vector<16xf32> to vector<1x16xf32>
        tpu.vector_store %arg10[%swap3A, %swap3A_56], %swap3A_59 {strides = array<i32>} : memref<104x128xf32, #tpu.memory_space<vmem>>, vector<1x16xf32>,
      }
      %scan3A_50 = arith.constant 8 : i32
    }
    %scan3A_4 = arith.constant 104 : i32
    %scan3A_5 = arith.constant 0 : i32
    %scan3A_6 = arith.constant 3 : i32
    %scan3A_7 = arith.addi %scan3A_5, %scan3A_6 : i32
    %scan3A_8 = arith.constant 1 : i32
    scf.for %scan3A_41 = %scan3A_5 to %scan3A_7 step %scan3A_8  : i32 {
      %mul3A_42 = arith.constant 104 : i32
      %mul3A_43 = arith.muli %scan3A_41, %mul3A_42 : i32
      %add3A_44 = arith.constant 0 : i32
      %add3A_45 = arith.addi %add3A_44, %mul3A_43 : i32
      %mul3A_46 = arith.constant 312 : i32
      %mul3A_47 = arith.muli %arg1, %mul3A_46 : i32
      %add3A_48 = arith.addi %mul3A_47, %add3A_45 : i32
      "tpu.region"() ({
        %run_scoped3A = tpu.sem_alloc : memref<!tpu.dma_semaphore, #tpu.memory_space<semaphore_mem>>
        %dma_start3A_49 = arith.constant 0 : i32
        %dma_start3A_50 = tpu.memref_slice %arg11[%add3A_48, %dma_start3A_49] : memref<5016x128xf32, #tpu.memory_space<vmem_shared>> -> memref<104x128xf32, #tpu.memory_space<vmem_shared>>
        %dma_start3A_51 = arith.constant 0 : i32
        %dma_start3A_52 = tpu.memref_slice %arg11[%add3A_48, %dma_start3A_51] : memref<5016x128xf32, #tpu.memory_space<vmem_shared>> -> memref<104x128xf32, #tpu.memory_space<vmem_shared>>
        tpu.enqueue_dma source(%arg10 : memref<104x128xf32, #tpu.memory_space<vmem>>) target(%dma_start3A_52 : memref<104x128xf32, #tpu.memory_space<vmem_shared>>) target_semaphore(%run_scoped3A : memref<!tpu.dma_semaphore, #tpu.memory_space<semaphore_mem>>)
        %dma_wait3A = arith.constant 0 : i32
        %dma_wait3A_53 = tpu.memref_slice %arg11[%add3A_48, %dma_wait3A] : memref<5016x128xf32, #tpu.memory_space<vmem_shared>> -> memref<104x128xf32, #tpu.memory_space<vmem_shared>>
        %dma_wait3A_54 = arith.constant 0 : i32
        %dma_wait3A_55 = tpu.memref_slice %arg11[%add3A_48, %dma_wait3A_54] : memref<5016x128xf32, #tpu.memory_space<vmem_shared>> -> memref<104x128xf32, #tpu.memory_space<vmem_shared>>
        tpu.wait_dma2 semaphore(%run_scoped3A : memref<!tpu.dma_semaphore, #tpu.memory_space<semaphore_mem>>) src(%arg10 : memref<104x128xf32, #tpu.memory_space<vmem>>) dst(%dma_wait3A_55 : memref<104x128xf32, #tpu.memory_space<vmem_shared>>)
        tpu.yield
      }) : () -> ()
    }
    %scan3A_9 = arith.constant 3 : i32
    %eq3A = arith.constant 15 : i32
    %eq3A_10 = arith.cmpi eq, %arg1, %eq3A : i32
    %convert_element_type3A = arith.extui %eq3A_10 : i1 to i32
    %cond3A = arith.constant 0 : i32
    %cond3A_11 = arith.cmpi ne, %convert_element_type3A, %cond3A : i32
    scf.if %cond3A_11 {
      "tpu.region"() ({
        %run_scoped3A = tpu.sem_alloc : memref<!tpu.dma_semaphore, #tpu.memory_space<semaphore_mem>>
        %dma_start3A_41 = arith.constant 0 : i32
        %dma_start3A_42 = arith.constant 0 : i32
        %dma_start3A_43 = tpu.memref_slice %arg10[%dma_start3A_41, %dma_start3A_42] : memref<104x128xf32, #tpu.memory_space<vmem>> -> memref<24x128xf32, #tpu.memory_space<vmem>>
        %dma_start3A_44 = arith.constant 4992 : i32
        %dma_start3A_45 = arith.constant 0 : i32
        %dma_start3A_46 = tpu.memref_slice %arg11[%dma_start3A_44, %dma_start3A_45] : memref<5016x128xf32, #tpu.memory_space<vmem_shared>> -> memref<24x128xf32, #tpu.memory_space<vmem_shared>>
        %dma_start3A_47 = arith.constant 4992 : i32
        %dma_start3A_48 = arith.constant 0 : i32
        %dma_start3A_49 = tpu.memref_slice %arg11[%dma_start3A_47, %dma_start3A_48] : memref<5016x128xf32, #tpu.memory_space<vmem_shared>> -> memref<24x128xf32, #tpu.memory_space<vmem_shared>>
        %dma_start3A_50 = arith.constant 0 : i32
        %dma_start3A_51 = arith.constant 0 : i32
        %dma_start3A_52 = tpu.memref_slice %arg10[%dma_start3A_50, %dma_start3A_51] : memref<104x128xf32, #tpu.memory_space<vmem>> -> memref<24x128xf32, #tpu.memory_space<vmem>>
        tpu.enqueue_dma source(%dma_start3A_52 : memref<24x128xf32, #tpu.memory_space<vmem>>) target(%dma_start3A_49 : memref<24x128xf32, #tpu.memory_space<vmem_shared>>) target_semaphore(%run_scoped3A : memref<!tpu.dma_semaphore, #tpu.memory_space<semaphore_mem>>)
        %dma_wait3A = arith.constant 0 : i32
        %dma_wait3A_53 = arith.constant 0 : i32
        %dma_wait3A_54 = tpu.memref_slice %arg10[%dma_wait3A, %dma_wait3A_53] : memref<104x128xf32, #tpu.memory_space<vmem>> -> memref<24x128xf32, #tpu.memory_space<vmem>>
        %dma_wait3A_55 = arith.constant 4992 : i32
        %dma_wait3A_56 = arith.constant 0 : i32
        %dma_wait3A_57 = tpu.memref_slice %arg11[%dma_wait3A_55, %dma_wait3A_56] : memref<5016x128xf32, #tpu.memory_space<vmem_shared>> -> memref<24x128xf32, #tpu.memory_space<vmem_shared>>
        %dma_wait3A_58 = arith.constant 4992 : i32
        %dma_wait3A_59 = arith.constant 0 : i32
        %dma_wait3A_60 = tpu.memref_slice %arg11[%dma_wait3A_58, %dma_wait3A_59] : memref<5016x128xf32, #tpu.memory_space<vmem_shared>> -> memref<24x128xf32, #tpu.memory_space<vmem_shared>>
        %dma_wait3A_61 = arith.constant 0 : i32
        %dma_wait3A_62 = arith.constant 0 : i32
        %dma_wait3A_63 = tpu.memref_slice %arg10[%dma_wait3A_61, %dma_wait3A_62] : memref<104x128xf32, #tpu.memory_space<vmem>> -> memref<24x128xf32, #tpu.memory_space<vmem>>
        tpu.wait_dma2 semaphore(%run_scoped3A : memref<!tpu.dma_semaphore, #tpu.memory_space<semaphore_mem>>) src(%dma_wait3A_63 : memref<24x128xf32, #tpu.memory_space<vmem>>) dst(%dma_wait3A_60 : memref<24x128xf32, #tpu.memory_space<vmem_shared>>)
        tpu.yield
      }) : () -> ()
    } else {
    }
    %barrier3A = arith.constant 0 : index
    tpu.barrier barrier_id(%barrier3A)
    %dma_start3A = arith.constant 0 : i32
    %dma_start3A_12 = arith.constant 0 : i32
    %dma_start3A_13 = tpu.memref_slice %arg6[%dma_start3A, %dma_start3A_12] : memref<160x125xi32, #tpu.memory_space<vmem>> -> memref<1x125xi32, #tpu.memory_space<vmem>>
    %dma_start3A_14 = tpu.memref_squeeze %dma_start3A_13 : memref<1x125xi32, #tpu.memory_space<vmem>> -> memref<125xi32, #tpu.memory_space<vmem>>
    %dma_start3A_15 = arith.constant 0 : i32
    %dma_start3A_16 = arith.constant 0 : i32
    %dma_start3A_17 = tpu.memref_slice %arg2[%dma_start3A_15, %dma_start3A_16] : memref<10000x128xf32, #tpu.memory_space<hbm>> -> memref<10000x128xf32, #tpu.memory_space<hbm>>
    tpu.enqueue_indirect_dma source(%dma_start3A_17 : memref<10000x128xf32, #tpu.memory_space<hbm>>) target(%arg8 : memref<125x128xf32, #tpu.memory_space<vmem>>) offsets(%dma_start3A_14 : memref<125xi32, #tpu.memory_space<vmem>>) semaphore(%arg12 : memref<!tpu.dma_semaphore, #tpu.memory_space<semaphore_mem>>)
    %dma_start3A_18 = arith.constant 1 : i32
    %dma_start3A_19 = arith.constant 0 : i32
    %dma_start3A_20 = tpu.memref_slice %arg6[%dma_start3A_18, %dma_start3A_19] : memref<160x125xi32, #tpu.memory_space<vmem>> -> memref<1x125xi32, #tpu.memory_space<vmem>>
    %dma_start3A_21 = tpu.memref_squeeze %dma_start3A_20 : memref<1x125xi32, #tpu.memory_space<vmem>> -> memref<125xi32, #tpu.memory_space<vmem>>
    %dma_start3A_22 = arith.constant 0 : i32
    %dma_start3A_23 = arith.constant 0 : i32
    %dma_start3A_24 = tpu.memref_slice %arg2[%dma_start3A_22, %dma_start3A_23] : memref<10000x128xf32, #tpu.memory_space<hbm>> -> memref<10000x128xf32, #tpu.memory_space<hbm>>
    tpu.enqueue_indirect_dma source(%dma_start3A_24 : memref<10000x128xf32, #tpu.memory_space<hbm>>) target(%arg9 : memref<125x128xf32, #tpu.memory_space<vmem>>) offsets(%dma_start3A_21 : memref<125xi32, #tpu.memory_space<vmem>>) semaphore(%arg13 : memref<!tpu.dma_semaphore, #tpu.memory_space<semaphore_mem>>)
    %scan3A_25 = arith.constant 0 : i32
    %scan3A_26 = arith.constant 80 : i32
    %scan3A_27 = arith.addi %scan3A_25, %scan3A_26 : i32
    %scan3A_28 = arith.constant 1 : i32
    scf.for %scan3A_41 = %scan3A_25 to %scan3A_27 step %scan3A_28  : i32 {
      %mul3A_42 = arith.constant 2 : i32
      %mul3A_43 = arith.muli %scan3A_41, %mul3A_42 : i32
      %add3A_44 = arith.constant 0 : i32
      %add3A_45 = arith.addi %add3A_44, %mul3A_43 : i32
      %dma_wait3A = arith.constant 0 : i32
      %dma_wait3A_46 = tpu.memref_slice %arg6[%add3A_45, %dma_wait3A] : memref<160x125xi32, #tpu.memory_space<vmem>> -> memref<1x125xi32, #tpu.memory_space<vmem>>
      %dma_wait3A_47 = tpu.memref_squeeze %dma_wait3A_46 : memref<1x125xi32, #tpu.memory_space<vmem>> -> memref<125xi32, #tpu.memory_space<vmem>>
      %dma_wait3A_48 = arith.constant 0 : i32
      %dma_wait3A_49 = arith.constant 0 : i32
      %dma_wait3A_50 = tpu.memref_slice %arg2[%dma_wait3A_48, %dma_wait3A_49] : memref<10000x128xf32, #tpu.memory_space<hbm>> -> memref<10000x128xf32, #tpu.memory_space<hbm>>
      tpu.wait_indirect_dma semaphore(%arg12 : memref<!tpu.dma_semaphore, #tpu.memory_space<semaphore_mem>>) src(%dma_wait3A_50 : memref<10000x128xf32, #tpu.memory_space<hbm>>) dst(%arg8 : memref<125x128xf32, #tpu.memory_space<vmem>>)
      "tpu.region"() ({
        %run_scoped3A = tpu.sem_alloc : memref<!tpu.dma_semaphore, #tpu.memory_space<semaphore_mem>>
        %dma_start3A_74 = arith.constant 0 : i32
        %dma_start3A_75 = tpu.memref_slice %arg7[%add3A_45, %dma_start3A_74] : memref<160x125xi32, #tpu.memory_space<vmem>> -> memref<1x125xi32, #tpu.memory_space<vmem>>
        %dma_start3A_76 = tpu.memref_squeeze %dma_start3A_75 : memref<1x125xi32, #tpu.memory_space<vmem>> -> memref<125xi32, #tpu.memory_space<vmem>>
        %dma_start3A_77 = arith.constant 0 : i32
        %dma_start3A_78 = arith.constant 0 : i32
        %dma_start3A_79 = tpu.memref_slice %arg11[%dma_start3A_77, %dma_start3A_78] : memref<5016x128xf32, #tpu.memory_space<vmem_shared>> -> memref<5016x128xf32, #tpu.memory_space<vmem_shared>>
        tpu.enqueue_indirect_dma source(%arg8 : memref<125x128xf32, #tpu.memory_space<vmem>>) target(%dma_start3A_79 : memref<5016x128xf32, #tpu.memory_space<vmem_shared>>) offsets(%dma_start3A_76 : memref<125xi32, #tpu.memory_space<vmem>>) semaphore(%run_scoped3A : memref<!tpu.dma_semaphore, #tpu.memory_space<semaphore_mem>>) {add = true}
        %dma_wait3A_80 = arith.constant 0 : i32
        %dma_wait3A_81 = tpu.memref_slice %arg7[%add3A_45, %dma_wait3A_80] : memref<160x125xi32, #tpu.memory_space<vmem>> -> memref<1x125xi32, #tpu.memory_space<vmem>>
        %dma_wait3A_82 = tpu.memref_squeeze %dma_wait3A_81 : memref<1x125xi32, #tpu.memory_space<vmem>> -> memref<125xi32, #tpu.memory_space<vmem>>
        %dma_wait3A_83 = arith.constant 0 : i32
        %dma_wait3A_84 = arith.constant 0 : i32
        %dma_wait3A_85 = tpu.memref_slice %arg11[%dma_wait3A_83, %dma_wait3A_84] : memref<5016x128xf32, #tpu.memory_space<vmem_shared>> -> memref<5016x128xf32, #tpu.memory_space<vmem_shared>>
        tpu.wait_indirect_dma semaphore(%run_scoped3A : memref<!tpu.dma_semaphore, #tpu.memory_space<semaphore_mem>>) src(%arg8 : memref<125x128xf32, #tpu.memory_space<vmem>>) dst(%dma_wait3A_85 : memref<5016x128xf32, #tpu.memory_space<vmem_shared>>)
        tpu.yield
      }) : () -> ()
      %add3A_51 = arith.constant 2 : i32
      %add3A_52 = arith.addi %add3A_45, %add3A_51 : i32
      %lt3A = arith.constant 160 : i32
      %lt3A_53 = arith.cmpi slt, %add3A_52, %lt3A : i32
      %convert_element_type3A_54 = arith.extui %lt3A_53 : i1 to i32
      %cond3A_55 = arith.constant 0 : i32
      %cond3A_56 = arith.cmpi ne, %convert_element_type3A_54, %cond3A_55 : i32
      scf.if %cond3A_56 {
        %add3A_74 = arith.constant 2 : i32
        %add3A_75 = arith.addi %add3A_45, %add3A_74 : i32
        %dma_start3A_76 = arith.constant 0 : i32
        %dma_start3A_77 = tpu.memref_slice %arg6[%add3A_75, %dma_start3A_76] : memref<160x125xi32, #tpu.memory_space<vmem>> -> memref<1x125xi32, #tpu.memory_space<vmem>>
        %dma_start3A_78 = tpu.memref_squeeze %dma_start3A_77 : memref<1x125xi32, #tpu.memory_space<vmem>> -> memref<125xi32, #tpu.memory_space<vmem>>
        %dma_start3A_79 = arith.constant 0 : i32
        %dma_start3A_80 = arith.constant 0 : i32
        %dma_start3A_81 = tpu.memref_slice %arg2[%dma_start3A_79, %dma_start3A_80] : memref<10000x128xf32, #tpu.memory_space<hbm>> -> memref<10000x128xf32, #tpu.memory_space<hbm>>
        tpu.enqueue_indirect_dma source(%dma_start3A_81 : memref<10000x128xf32, #tpu.memory_space<hbm>>) target(%arg8 : memref<125x128xf32, #tpu.memory_space<vmem>>) offsets(%dma_start3A_78 : memref<125xi32, #tpu.memory_space<vmem>>) semaphore(%arg12 : memref<!tpu.dma_semaphore, #tpu.memory_space<semaphore_mem>>)
      } else {
      }
      %add3A_57 = arith.constant 1 : i32
      %add3A_58 = arith.addi %add3A_45, %add3A_57 : i32
      %dma_wait3A_59 = arith.constant 0 : i32
      %dma_wait3A_60 = tpu.memref_slice %arg6[%add3A_58, %dma_wait3A_59] : memref<160x125xi32, #tpu.memory_space<vmem>> -> memref<1x125xi32, #tpu.memory_space<vmem>>
      %dma_wait3A_61 = tpu.memref_squeeze %dma_wait3A_60 : memref<1x125xi32, #tpu.memory_space<vmem>> -> memref<125xi32, #tpu.memory_space<vmem>>
      %dma_wait3A_62 = arith.constant 0 : i32
      %dma_wait3A_63 = arith.constant 0 : i32
      %dma_wait3A_64 = tpu.memref_slice %arg2[%dma_wait3A_62, %dma_wait3A_63] : memref<10000x128xf32, #tpu.memory_space<hbm>> -> memref<10000x128xf32, #tpu.memory_space<hbm>>
      tpu.wait_indirect_dma semaphore(%arg13 : memref<!tpu.dma_semaphore, #tpu.memory_space<semaphore_mem>>) src(%dma_wait3A_64 : memref<10000x128xf32, #tpu.memory_space<hbm>>) dst(%arg9 : memref<125x128xf32, #tpu.memory_space<vmem>>)
      %add3A_65 = arith.constant 1 : i32
      %add3A_66 = arith.addi %add3A_45, %add3A_65 : i32
      "tpu.region"() ({
        %run_scoped3A = tpu.sem_alloc : memref<!tpu.dma_semaphore, #tpu.memory_space<semaphore_mem>>
        %dma_start3A_74 = arith.constant 0 : i32
        %dma_start3A_75 = tpu.memref_slice %arg7[%add3A_66, %dma_start3A_74] : memref<160x125xi32, #tpu.memory_space<vmem>> -> memref<1x125xi32, #tpu.memory_space<vmem>>
        %dma_start3A_76 = tpu.memref_squeeze %dma_start3A_75 : memref<1x125xi32, #tpu.memory_space<vmem>> -> memref<125xi32, #tpu.memory_space<vmem>>
        %dma_start3A_77 = arith.constant 0 : i32
        %dma_start3A_78 = arith.constant 0 : i32
        %dma_start3A_79 = tpu.memref_slice %arg11[%dma_start3A_77, %dma_start3A_78] : memref<5016x128xf32, #tpu.memory_space<vmem_shared>> -> memref<5016x128xf32, #tpu.memory_space<vmem_shared>>
        tpu.enqueue_indirect_dma source(%arg9 : memref<125x128xf32, #tpu.memory_space<vmem>>) target(%dma_start3A_79 : memref<5016x128xf32, #tpu.memory_space<vmem_shared>>) offsets(%dma_start3A_76 : memref<125xi32, #tpu.memory_space<vmem>>) semaphore(%run_scoped3A : memref<!tpu.dma_semaphore, #tpu.memory_space<semaphore_mem>>) {add = true}
        %dma_wait3A_80 = arith.constant 0 : i32
        %dma_wait3A_81 = tpu.memref_slice %arg7[%add3A_66, %dma_wait3A_80] : memref<160x125xi32, #tpu.memory_space<vmem>> -> memref<1x125xi32, #tpu.memory_space<vmem>>
        %dma_wait3A_82 = tpu.memref_squeeze %dma_wait3A_81 : memref<1x125xi32, #tpu.memory_space<vmem>> -> memref<125xi32, #tpu.memory_space<vmem>>
        %dma_wait3A_83 = arith.constant 0 : i32
        %dma_wait3A_84 = arith.constant 0 : i32
        %dma_wait3A_85 = tpu.memref_slice %arg11[%dma_wait3A_83, %dma_wait3A_84] : memref<5016x128xf32, #tpu.memory_space<vmem_shared>> -> memref<5016x128xf32, #tpu.memory_space<vmem_shared>>
        tpu.wait_indirect_dma semaphore(%run_scoped3A : memref<!tpu.dma_semaphore, #tpu.memory_space<semaphore_mem>>) src(%arg9 : memref<125x128xf32, #tpu.memory_space<vmem>>) dst(%dma_wait3A_85 : memref<5016x128xf32, #tpu.memory_space<vmem_shared>>)
        tpu.yield
      }) : () -> ()
      %add3A_67 = arith.constant 3 : i32
      %add3A_68 = arith.addi %add3A_45, %add3A_67 : i32
      %lt3A_69 = arith.constant 160 : i32
      %lt3A_70 = arith.cmpi slt, %add3A_68, %lt3A_69 : i32
      %convert_element_type3A_71 = arith.extui %lt3A_70 : i1 to i32
      %cond3A_72 = arith.constant 0 : i32
      %cond3A_73 = arith.cmpi ne, %convert_element_type3A_71, %cond3A_72 : i32
      scf.if %cond3A_73 {
        %add3A_74 = arith.constant 3 : i32
        %add3A_75 = arith.addi %add3A_45, %add3A_74 : i32
        %dma_start3A_76 = arith.constant 0 : i32
        %dma_start3A_77 = tpu.memref_slice %arg6[%add3A_75, %dma_start3A_76] : memref<160x125xi32, #tpu.memory_space<vmem>> -> memref<1x125xi32, #tpu.memory_space<vmem>>
        %dma_start3A_78 = tpu.memref_squeeze %dma_start3A_77 : memref<1x125xi32, #tpu.memory_space<vmem>> -> memref<125xi32, #tpu.memory_space<vmem>>
        %dma_start3A_79 = arith.constant 0 : i32
        %dma_start3A_80 = arith.constant 0 : i32
        %dma_start3A_81 = tpu.memref_slice %arg2[%dma_start3A_79, %dma_start3A_80] : memref<10000x128xf32, #tpu.memory_space<hbm>> -> memref<10000x128xf32, #tpu.memory_space<hbm>>
        tpu.enqueue_indirect_dma source(%dma_start3A_81 : memref<10000x128xf32, #tpu.memory_space<hbm>>) target(%arg9 : memref<125x128xf32, #tpu.memory_space<vmem>>) offsets(%dma_start3A_78 : memref<125xi32, #tpu.memory_space<vmem>>) semaphore(%arg13 : memref<!tpu.dma_semaphore, #tpu.memory_space<semaphore_mem>>)
      } else {
      }
    }
    %scan3A_29 = arith.constant 80 : i32
    %barrier3A_30 = arith.constant 0 : index
    tpu.barrier barrier_id(%barrier3A_30)
    %mul3A = arith.constant 312 : i32
    %mul3A_31 = arith.muli %arg1, %mul3A : i32
    %mul3A_32 = arith.constant 5000 : i32
    %mul3A_33 = arith.muli %arg0, %mul3A_32 : i32
    %mul3A_34 = arith.constant 312 : i32
    %mul3A_35 = arith.muli %arg1, %mul3A_34 : i32
    %add3A = arith.addi %mul3A_33, %mul3A_35 : i32
    "tpu.region"() ({
      %run_scoped3A = tpu.sem_alloc : memref<!tpu.dma_semaphore, #tpu.memory_space<semaphore_mem>>
      %dma_start3A_41 = arith.constant 0 : i32
      %dma_start3A_42 = tpu.memref_slice %arg5[%add3A, %dma_start3A_41] : memref<10000x128xf32, #tpu.memory_space<hbm>> -> memref<312x128xf32, #tpu.memory_space<hbm>>
      %dma_start3A_43 = arith.constant 0 : i32
      %dma_start3A_44 = tpu.memref_slice %arg11[%mul3A_31, %dma_start3A_43] : memref<5016x128xf32, #tpu.memory_space<vmem_shared>> -> memref<312x128xf32, #tpu.memory_space<vmem_shared>>
      tpu.enqueue_dma source(%dma_start3A_44 : memref<312x128xf32, #tpu.memory_space<vmem_shared>>) target(%dma_start3A_42 : memref<312x128xf32, #tpu.memory_space<hbm>>) target_semaphore(%run_scoped3A : memref<!tpu.dma_semaphore, #tpu.memory_space<semaphore_mem>>)
      %dma_wait3A = arith.constant 0 : i32
      %dma_wait3A_45 = tpu.memref_slice %arg5[%add3A, %dma_wait3A] : memref<10000x128xf32, #tpu.memory_space<hbm>> -> memref<312x128xf32, #tpu.memory_space<hbm>>
      %dma_wait3A_46 = arith.constant 0 : i32
      %dma_wait3A_47 = tpu.memref_slice %arg11[%mul3A_31, %dma_wait3A_46] : memref<5016x128xf32, #tpu.memory_space<vmem_shared>> -> memref<312x128xf32, #tpu.memory_space<vmem_shared>>
      tpu.wait_dma2 semaphore(%run_scoped3A : memref<!tpu.dma_semaphore, #tpu.memory_space<semaphore_mem>>) src(%dma_wait3A_47 : memref<312x128xf32, #tpu.memory_space<vmem_shared>>) dst(%dma_wait3A_45 : memref<312x128xf32, #tpu.memory_space<hbm>>)
      tpu.yield
    }) : () -> ()
    %eq3A_36 = arith.constant 15 : i32
    %eq3A_37 = arith.cmpi eq, %arg1, %eq3A_36 : i32
    %convert_element_type3A_38 = arith.extui %eq3A_37 : i1 to i32
    %cond3A_39 = arith.constant 0 : i32
    %cond3A_40 = arith.cmpi ne, %convert_element_type3A_38, %cond3A_39 : i32
    scf.if %cond3A_40 {
      %mul3A_41 = arith.constant 5000 : i32
      %mul3A_42 = arith.muli %arg0, %mul3A_41 : i32
      %add3A_43 = arith.constant 4992 : i32
      %add3A_44 = arith.addi %mul3A_42, %add3A_43 : i32
      "tpu.region"() ({
        %run_scoped3A = tpu.sem_alloc : memref<!tpu.dma_semaphore, #tpu.memory_space<semaphore_mem>>
        %dma_start3A_45 = arith.constant 0 : i32
        %dma_start3A_46 = tpu.memref_slice %arg5[%add3A_44, %dma_start3A_45] : memref<10000x128xf32, #tpu.memory_space<hbm>> -> memref<8x128xf32, #tpu.memory_space<hbm>>
        %dma_start3A_47 = arith.constant 4992 : i32
        %dma_start3A_48 = arith.constant 0 : i32
        %dma_start3A_49 = tpu.memref_slice %arg11[%dma_start3A_47, %dma_start3A_48] : memref<5016x128xf32, #tpu.memory_space<vmem_shared>> -> memref<8x128xf32, #tpu.memory_space<vmem_shared>>
        tpu.enqueue_dma source(%dma_start3A_49 : memref<8x128xf32, #tpu.memory_space<vmem_shared>>) target(%dma_start3A_46 : memref<8x128xf32, #tpu.memory_space<hbm>>) target_semaphore(%run_scoped3A : memref<!tpu.dma_semaphore, #tpu.memory_space<semaphore_mem>>)
        %dma_wait3A = arith.constant 0 : i32
        %dma_wait3A_50 = tpu.memref_slice %arg5[%add3A_44, %dma_wait3A] : memref<10000x128xf32, #tpu.memory_space<hbm>> -> memref<8x128xf32, #tpu.memory_space<hbm>>
        %dma_wait3A_51 = arith.constant 4992 : i32
        %dma_wait3A_52 = arith.constant 0 : i32
        %dma_wait3A_53 = tpu.memref_slice %arg11[%dma_wait3A_51, %dma_wait3A_52] : memref<5016x128xf32, #tpu.memory_space<vmem_shared>> -> memref<8x128xf32, #tpu.memory_space<vmem_shared>>
        tpu.wait_dma2 semaphore(%run_scoped3A : memref<!tpu.dma_semaphore, #tpu.memory_space<semaphore_mem>>) src(%dma_wait3A_53 : memref<8x128xf32, #tpu.memory_space<vmem_shared>>) dst(%dma_wait3A_50 : memref<8x128xf32, #tpu.memory_space<hbm>>)
        tpu.yield
      }) : () -> ()
    } else {
    }
    return
  }
}

#map = affine_map<(d0, d1) -> (0, 0)>
#map1 = affine_map<(d0, d1) -> (0, 0, 0)>
#map2 = affine_map<(d0, d1) -> (0, 0, 0, 0)>
module attributes {stable_mosaic.version = 14 : i64} {
  func.func @k(%arg0: i32, %arg1: i32, %arg2: memref<10000x128xf32, #tpu.memory_space<hbm>>, %arg3: memref<16x160x125xi32, #tpu.memory_space<hbm>>, %arg4: memref<2x16x160x125xi32, #tpu.memory_space<hbm>>, %arg5: memref<10000x128xf32, #tpu.memory_space<hbm>>, %arg6: memref<160x125xi32, #tpu.memory_space<vmem>>, %arg7: memref<160x125xi32, #tpu.memory_space<vmem>>, %arg8: memref<125x128xf32, #tpu.memory_space<vmem>>, %arg9: memref<125x128xf32, #tpu.memory_space<vmem>>, %arg10: memref<104x128xf32, #tpu.memory_space<vmem>>, %arg11: memref<5016x128xf32, #tpu.memory_space<vmem_shared>>, %arg12: memref<!tpu.dma_semaphore, #tpu.memory_space<semaphore_mem>>, %arg13: memref<!tpu.dma_semaphore, #tpu.memory_space<semaphore_mem>>) attributes {dimension_semantics = [#tpu.dimension_semantics<core_parallel>, #tpu.dimension_semantics<subcore_parallel>], iteration_bounds = array<i64: 2, 16>, scalar_prefetch = 0 : i64, scratch_operands = 8 : i64, tpu.core_type = #tpu.core_type<sc_vector_subcore>, window_params = [{transform_indices = #map}, {transform_indices = #map1}, {transform_indices = #map2}, {transform_indices = #map}]} {
    "tpu.region"() ({
      %run_scoped3A = tpu.sem_alloc : memref<!tpu.dma_semaphore, #tpu.memory_space<semaphore_mem>>
      %dma_start3A_41 = arith.constant 0 : i32
      %dma_start3A_42 = arith.constant 0 : i32
      %dma_start3A_43 = tpu.memref_slice %arg3[%arg1, %dma_start3A_41, %dma_start3A_42] : memref<16x160x125xi32, #tpu.memory_space<hbm>> -> memref<1x160x125xi32, #tpu.memory_space<hbm>>
      %dma_start3A_44 = tpu.memref_squeeze %dma_start3A_43 : memref<1x160x125xi32, #tpu.memory_space<hbm>> -> memref<160x125xi32, #tpu.memory_space<hbm>>
      %dma_start3A_45 = arith.constant 0 : i32
      %dma_start3A_46 = arith.constant 0 : i32
      %dma_start3A_47 = tpu.memref_slice %arg3[%arg1, %dma_start3A_45, %dma_start3A_46] : memref<16x160x125xi32, #tpu.memory_space<hbm>> -> memref<1x160x125xi32, #tpu.memory_space<hbm>>
      %dma_start3A_48 = tpu.memref_squeeze %dma_start3A_47 : memref<1x160x125xi32, #tpu.memory_space<hbm>> -> memref<160x125xi32, #tpu.memory_space<hbm>>
      tpu.enqueue_dma source(%dma_start3A_48 : memref<160x125xi32, #tpu.memory_space<hbm>>) target(%arg6 : memref<160x125xi32, #tpu.memory_space<vmem>>) target_semaphore(%run_scoped3A : memref<!tpu.dma_semaphore, #tpu.memory_space<semaphore_mem>>)
      %dma_wait3A = arith.constant 0 : i32
      %dma_wait3A_49 = arith.constant 0 : i32
      %dma_wait3A_50 = tpu.memref_slice %arg3[%arg1, %dma_wait3A, %dma_wait3A_49] : memref<16x160x125xi32, #tpu.memory_space<hbm>> -> memref<1x160x125xi32, #tpu.memory_space<hbm>>
      %dma_wait3A_51 = tpu.memref_squeeze %dma_wait3A_50 : memref<1x160x125xi32, #tpu.memory_space<hbm>> -> memref<160x125xi32, #tpu.memory_space<hbm>>
      %dma_wait3A_52 = arith.constant 0 : i32
      %dma_wait3A_53 = arith.constant 0 : i32
      %dma_wait3A_54 = tpu.memref_slice %arg3[%arg1, %dma_wait3A_52, %dma_wait3A_53] : memref<16x160x125xi32, #tpu.memory_space<hbm>> -> memref<1x160x125xi32, #tpu.memory_space<hbm>>
      %dma_wait3A_55 = tpu.memref_squeeze %dma_wait3A_54 : memref<1x160x125xi32, #tpu.memory_space<hbm>> -> memref<160x125xi32, #tpu.memory_space<hbm>>
      tpu.wait_dma2 semaphore(%run_scoped3A : memref<!tpu.dma_semaphore, #tpu.memory_space<semaphore_mem>>) src(%dma_wait3A_55 : memref<160x125xi32, #tpu.memory_space<hbm>>) dst(%arg6 : memref<160x125xi32, #tpu.memory_space<vmem>>)
      tpu.yield
    }) : () -> ()
    "tpu.region"() ({
      %run_scoped3A = tpu.sem_alloc : memref<!tpu.dma_semaphore, #tpu.memory_space<semaphore_mem>>
      %dma_start3A_41 = arith.constant 0 : i32
      %dma_start3A_42 = arith.constant 0 : i32
      %dma_start3A_43 = tpu.memref_slice %arg4[%arg0, %arg1, %dma_start3A_41, %dma_start3A_42] : memref<2x16x160x125xi32, #tpu.memory_space<hbm>> -> memref<1x1x160x125xi32, #tpu.memory_space<hbm>>
      %dma_start3A_44 = tpu.memref_squeeze %dma_start3A_43 : memref<1x1x160x125xi32, #tpu.memory_space<hbm>> -> memref<160x125xi32, #tpu.memory_space<hbm>>
      %dma_start3A_45 = arith.constant 0 : i32
      %dma_start3A_46 = arith.constant 0 : i32
      %dma_start3A_47 = tpu.memref_slice %arg4[%arg0, %arg1, %dma_start3A_45, %dma_start3A_46] : memref<2x16x160x125xi32, #tpu.memory_space<hbm>> -> memref<1x1x160x125xi32, #tpu.memory_space<hbm>>
      %dma_start3A_48 = tpu.memref_squeeze %dma_start3A_47 : memref<1x1x160x125xi32, #tpu.memory_space<hbm>> -> memref<160x125xi32, #tpu.memory_space<hbm>>
      tpu.enqueue_dma source(%dma_start3A_48 : memref<160x125xi32, #tpu.memory_space<hbm>>) target(%arg7 : memref<160x125xi32, #tpu.memory_space<vmem>>) target_semaphore(%run_scoped3A : memref<!tpu.dma_semaphore, #tpu.memory_space<semaphore_mem>>)
      %dma_wait3A = arith.constant 0 : i32
      %dma_wait3A_49 = arith.constant 0 : i32
      %dma_wait3A_50 = tpu.memref_slice %arg4[%arg0, %arg1, %dma_wait3A, %dma_wait3A_49] : memref<2x16x160x125xi32, #tpu.memory_space<hbm>> -> memref<1x1x160x125xi32, #tpu.memory_space<hbm>>
      %dma_wait3A_51 = tpu.memref_squeeze %dma_wait3A_50 : memref<1x1x160x125xi32, #tpu.memory_space<hbm>> -> memref<160x125xi32, #tpu.memory_space<hbm>>
      %dma_wait3A_52 = arith.constant 0 : i32
      %dma_wait3A_53 = arith.constant 0 : i32
      %dma_wait3A_54 = tpu.memref_slice %arg4[%arg0, %arg1, %dma_wait3A_52, %dma_wait3A_53] : memref<2x16x160x125xi32, #tpu.memory_space<hbm>> -> memref<1x1x160x125xi32, #tpu.memory_space<hbm>>
      %dma_wait3A_55 = tpu.memref_squeeze %dma_wait3A_54 : memref<1x1x160x125xi32, #tpu.memory_space<hbm>> -> memref<160x125xi32, #tpu.memory_space<hbm>>
      tpu.wait_dma2 semaphore(%run_scoped3A : memref<!tpu.dma_semaphore, #tpu.memory_space<semaphore_mem>>) src(%dma_wait3A_55 : memref<160x125xi32, #tpu.memory_space<hbm>>) dst(%arg7 : memref<160x125xi32, #tpu.memory_space<vmem>>)
      tpu.yield
    }) : () -> ()
    %broadcast_in_dim3A = arith.constant 0.000000e+00 : f32
    %broadcast_in_dim3A_0 = vector.broadcast %broadcast_in_dim3A : f32 to vector<16xf32>
    %scan3A = arith.constant 0 : i32
    %scan3A_1 = arith.constant 104 : i32
    %scan3A_2 = arith.addi %scan3A, %scan3A_1 : i32
    %scan3A_3 = arith.constant 1 : i32
    scf.for %scan3A_41 = %scan3A to %scan3A_2 step %scan3A_3  : i32 {
      %mul3A_42 = arith.constant 1 : i32
      %mul3A_43 = arith.muli %scan3A_41, %mul3A_42 : i32
      %add3A_44 = arith.constant 0 : i32
      %add3A_45 = arith.addi %add3A_44, %mul3A_43 : i32
      %scan3A_46 = arith.constant 0 : i32
      %scan3A_47 = arith.constant 8 : i32
      %scan3A_48 = arith.addi %scan3A_46, %scan3A_47 : i32
      %scan3A_49 = arith.constant 1 : i32
      scf.for %scan3A_51 = %scan3A_46 to %scan3A_48 step %scan3A_49  : i32 {
        %mul3A_52 = arith.constant 16 : i32
        %mul3A_53 = arith.muli %scan3A_51, %mul3A_52 : i32
        %add3A_54 = arith.constant 0 : i32
        %add3A_55 = arith.addi %add3A_54, %mul3A_53 : i32
        %swap3A = arith.index_cast %add3A_45 : i32 to index
        %swap3A_56 = arith.index_cast %add3A_55 : i32 to index
        %swap3A_57 = tpu.vector_load %arg10[%swap3A, %swap3A_56] {strides = array<i32>} : memref<104x128xf32, #tpu.memory_space<vmem>>, vector<1x16xf32>,
        %swap3A_58 = vector.shape_cast %swap3A_57 : vector<1x16xf32> to vector<16xf32>
        %swap3A_59 = vector.shape_cast %broadcast_in_dim3A_0 : vector<16xf32> to vector<1x16xf32>
        tpu.vector_store %arg10[%swap3A, %swap3A_56], %swap3A_59 {strides = array<i32>} : memref<104x128xf32, #tpu.memory_space<vmem>>, vector<1x16xf32>,
      }
      %scan3A_50 = arith.constant 8 : i32
    }
    %scan3A_4 = arith.constant 104 : i32
    %scan3A_5 = arith.constant 0 : i32
    %scan3A_6 = arith.constant 3 : i32
    %scan3A_7 = arith.addi %scan3A_5, %scan3A_6 : i32
    %scan3A_8 = arith.constant 1 : i32
    scf.for %scan3A_41 = %scan3A_5 to %scan3A_7 step %scan3A_8  : i32 {
      %mul3A_42 = arith.constant 104 : i32
      %mul3A_43 = arith.muli %scan3A_41, %mul3A_42 : i32
      %add3A_44 = arith.constant 0 : i32
      %add3A_45 = arith.addi %add3A_44, %mul3A_43 : i32
      %mul3A_46 = arith.constant 312 : i32
      %mul3A_47 = arith.muli %arg1, %mul3A_46 : i32
      %add3A_48 = arith.addi %mul3A_47, %add3A_45 : i32
      "tpu.region"() ({
        %run_scoped3A = tpu.sem_alloc : memref<!tpu.dma_semaphore, #tpu.memory_space<semaphore_mem>>
        %dma_start3A_49 = arith.constant 0 : i32
        %dma_start3A_50 = tpu.memref_slice %arg11[%add3A_48, %dma_start3A_49] : memref<5016x128xf32, #tpu.memory_space<vmem_shared>> -> memref<104x128xf32, #tpu.memory_space<vmem_shared>>
        %dma_start3A_51 = arith.constant 0 : i32
        %dma_start3A_52 = tpu.memref_slice %arg11[%add3A_48, %dma_start3A_51] : memref<5016x128xf32, #tpu.memory_space<vmem_shared>> -> memref<104x128xf32, #tpu.memory_space<vmem_shared>>
        tpu.enqueue_dma source(%arg10 : memref<104x128xf32, #tpu.memory_space<vmem>>) target(%dma_start3A_52 : memref<104x128xf32, #tpu.memory_space<vmem_shared>>) target_semaphore(%run_scoped3A : memref<!tpu.dma_semaphore, #tpu.memory_space<semaphore_mem>>)
        %dma_wait3A = arith.constant 0 : i32
        %dma_wait3A_53 = tpu.memref_slice %arg11[%add3A_48, %dma_wait3A] : memref<5016x128xf32, #tpu.memory_space<vmem_shared>> -> memref<104x128xf32, #tpu.memory_space<vmem_shared>>
        %dma_wait3A_54 = arith.constant 0 : i32
        %dma_wait3A_55 = tpu.memref_slice %arg11[%add3A_48, %dma_wait3A_54] : memref<5016x128xf32, #tpu.memory_space<vmem_shared>> -> memref<104x128xf32, #tpu.memory_space<vmem_shared>>
        tpu.wait_dma2 semaphore(%run_scoped3A : memref<!tpu.dma_semaphore, #tpu.memory_space<semaphore_mem>>) src(%arg10 : memref<104x128xf32, #tpu.memory_space<vmem>>) dst(%dma_wait3A_55 : memref<104x128xf32, #tpu.memory_space<vmem_shared>>)
        tpu.yield
      }) : () -> ()
    }
    %scan3A_9 = arith.constant 3 : i32
    %eq3A = arith.constant 15 : i32
    %eq3A_10 = arith.cmpi eq, %arg1, %eq3A : i32
    %convert_element_type3A = arith.extui %eq3A_10 : i1 to i32
    %cond3A = arith.constant 0 : i32
    %cond3A_11 = arith.cmpi ne, %convert_element_type3A, %cond3A : i32
    scf.if %cond3A_11 {
      "tpu.region"() ({
        %run_scoped3A = tpu.sem_alloc : memref<!tpu.dma_semaphore, #tpu.memory_space<semaphore_mem>>
        %dma_start3A_41 = arith.constant 0 : i32
        %dma_start3A_42 = arith.constant 0 : i32
        %dma_start3A_43 = tpu.memref_slice %arg10[%dma_start3A_41, %dma_start3A_42] : memref<104x128xf32, #tpu.memory_space<vmem>> -> memref<24x128xf32, #tpu.memory_space<vmem>>
        %dma_start3A_44 = arith.constant 4992 : i32
        %dma_start3A_45 = arith.constant 0 : i32
        %dma_start3A_46 = tpu.memref_slice %arg11[%dma_start3A_44, %dma_start3A_45] : memref<5016x128xf32, #tpu.memory_space<vmem_shared>> -> memref<24x128xf32, #tpu.memory_space<vmem_shared>>
        %dma_start3A_47 = arith.constant 4992 : i32
        %dma_start3A_48 = arith.constant 0 : i32
        %dma_start3A_49 = tpu.memref_slice %arg11[%dma_start3A_47, %dma_start3A_48] : memref<5016x128xf32, #tpu.memory_space<vmem_shared>> -> memref<24x128xf32, #tpu.memory_space<vmem_shared>>
        %dma_start3A_50 = arith.constant 0 : i32
        %dma_start3A_51 = arith.constant 0 : i32
        %dma_start3A_52 = tpu.memref_slice %arg10[%dma_start3A_50, %dma_start3A_51] : memref<104x128xf32, #tpu.memory_space<vmem>> -> memref<24x128xf32, #tpu.memory_space<vmem>>
        tpu.enqueue_dma source(%dma_start3A_52 : memref<24x128xf32, #tpu.memory_space<vmem>>) target(%dma_start3A_49 : memref<24x128xf32, #tpu.memory_space<vmem_shared>>) target_semaphore(%run_scoped3A : memref<!tpu.dma_semaphore, #tpu.memory_space<semaphore_mem>>)
        %dma_wait3A = arith.constant 0 : i32
        %dma_wait3A_53 = arith.constant 0 : i32
        %dma_wait3A_54 = tpu.memref_slice %arg10[%dma_wait3A, %dma_wait3A_53] : memref<104x128xf32, #tpu.memory_space<vmem>> -> memref<24x128xf32, #tpu.memory_space<vmem>>
        %dma_wait3A_55 = arith.constant 4992 : i32
        %dma_wait3A_56 = arith.constant 0 : i32
        %dma_wait3A_57 = tpu.memref_slice %arg11[%dma_wait3A_55, %dma_wait3A_56] : memref<5016x128xf32, #tpu.memory_space<vmem_shared>> -> memref<24x128xf32, #tpu.memory_space<vmem_shared>>
        %dma_wait3A_58 = arith.constant 4992 : i32
        %dma_wait3A_59 = arith.constant 0 : i32
        %dma_wait3A_60 = tpu.memref_slice %arg11[%dma_wait3A_58, %dma_wait3A_59] : memref<5016x128xf32, #tpu.memory_space<vmem_shared>> -> memref<24x128xf32, #tpu.memory_space<vmem_shared>>
        %dma_wait3A_61 = arith.constant 0 : i32
        %dma_wait3A_62 = arith.constant 0 : i32
        %dma_wait3A_63 = tpu.memref_slice %arg10[%dma_wait3A_61, %dma_wait3A_62] : memref<104x128xf32, #tpu.memory_space<vmem>> -> memref<24x128xf32, #tpu.memory_space<vmem>>
        tpu.wait_dma2 semaphore(%run_scoped3A : memref<!tpu.dma_semaphore, #tpu.memory_space<semaphore_mem>>) src(%dma_wait3A_63 : memref<24x128xf32, #tpu.memory_space<vmem>>) dst(%dma_wait3A_60 : memref<24x128xf32, #tpu.memory_space<vmem_shared>>)
        tpu.yield
      }) : () -> ()
    } else {
    }
    %barrier3A = arith.constant 0 : index
    tpu.barrier barrier_id(%barrier3A)
    %dma_start3A = arith.constant 0 : i32
    %dma_start3A_12 = arith.constant 0 : i32
    %dma_start3A_13 = tpu.memref_slice %arg6[%dma_start3A, %dma_start3A_12] : memref<160x125xi32, #tpu.memory_space<vmem>> -> memref<1x125xi32, #tpu.memory_space<vmem>>
    %dma_start3A_14 = tpu.memref_squeeze %dma_start3A_13 : memref<1x125xi32, #tpu.memory_space<vmem>> -> memref<125xi32, #tpu.memory_space<vmem>>
    %dma_start3A_15 = arith.constant 0 : i32
    %dma_start3A_16 = arith.constant 0 : i32
    %dma_start3A_17 = tpu.memref_slice %arg2[%dma_start3A_15, %dma_start3A_16] : memref<10000x128xf32, #tpu.memory_space<hbm>> -> memref<10000x128xf32, #tpu.memory_space<hbm>>
    tpu.enqueue_indirect_dma source(%dma_start3A_17 : memref<10000x128xf32, #tpu.memory_space<hbm>>) target(%arg8 : memref<125x128xf32, #tpu.memory_space<vmem>>) offsets(%dma_start3A_14 : memref<125xi32, #tpu.memory_space<vmem>>) semaphore(%arg12 : memref<!tpu.dma_semaphore, #tpu.memory_space<semaphore_mem>>)
    %dma_start3A_18 = arith.constant 1 : i32
    %dma_start3A_19 = arith.constant 0 : i32
    %dma_start3A_20 = tpu.memref_slice %arg6[%dma_start3A_18, %dma_start3A_19] : memref<160x125xi32, #tpu.memory_space<vmem>> -> memref<1x125xi32, #tpu.memory_space<vmem>>
    %dma_start3A_21 = tpu.memref_squeeze %dma_start3A_20 : memref<1x125xi32, #tpu.memory_space<vmem>> -> memref<125xi32, #tpu.memory_space<vmem>>
    %dma_start3A_22 = arith.constant 0 : i32
    %dma_start3A_23 = arith.constant 0 : i32
    %dma_start3A_24 = tpu.memref_slice %arg2[%dma_start3A_22, %dma_start3A_23] : memref<10000x128xf32, #tpu.memory_space<hbm>> -> memref<10000x128xf32, #tpu.memory_space<hbm>>
    tpu.enqueue_indirect_dma source(%dma_start3A_24 : memref<10000x128xf32, #tpu.memory_space<hbm>>) target(%arg9 : memref<125x128xf32, #tpu.memory_space<vmem>>) offsets(%dma_start3A_21 : memref<125xi32, #tpu.memory_space<vmem>>) semaphore(%arg13 : memref<!tpu.dma_semaphore, #tpu.memory_space<semaphore_mem>>)
    %scan3A_25 = arith.constant 0 : i32
    %scan3A_26 = arith.constant 80 : i32
    %scan3A_27 = arith.addi %scan3A_25, %scan3A_26 : i32
    %scan3A_28 = arith.constant 1 : i32
    scf.for %scan3A_41 = %scan3A_25 to %scan3A_27 step %scan3A_28  : i32 {
      %mul3A_42 = arith.constant 2 : i32
      %mul3A_43 = arith.muli %scan3A_41, %mul3A_42 : i32
      %add3A_44 = arith.constant 0 : i32
      %add3A_45 = arith.addi %add3A_44, %mul3A_43 : i32
      %dma_wait3A = arith.constant 0 : i32
      %dma_wait3A_46 = tpu.memref_slice %arg6[%add3A_45, %dma_wait3A] : memref<160x125xi32, #tpu.memory_space<vmem>> -> memref<1x125xi32, #tpu.memory_space<vmem>>
      %dma_wait3A_47 = tpu.memref_squeeze %dma_wait3A_46 : memref<1x125xi32, #tpu.memory_space<vmem>> -> memref<125xi32, #tpu.memory_space<vmem>>
      %dma_wait3A_48 = arith.constant 0 : i32
      %dma_wait3A_49 = arith.constant 0 : i32
      %dma_wait3A_50 = tpu.memref_slice %arg2[%dma_wait3A_48, %dma_wait3A_49] : memref<10000x128xf32, #tpu.memory_space<hbm>> -> memref<10000x128xf32, #tpu.memory_space<hbm>>
      tpu.wait_indirect_dma semaphore(%arg12 : memref<!tpu.dma_semaphore, #tpu.memory_space<semaphore_mem>>) src(%dma_wait3A_50 : memref<10000x128xf32, #tpu.memory_space<hbm>>) dst(%arg8 : memref<125x128xf32, #tpu.memory_space<vmem>>)
      "tpu.region"() ({
        %run_scoped3A = tpu.sem_alloc : memref<!tpu.dma_semaphore, #tpu.memory_space<semaphore_mem>>
        %dma_start3A_74 = arith.constant 0 : i32
        %dma_start3A_75 = tpu.memref_slice %arg7[%add3A_45, %dma_start3A_74] : memref<160x125xi32, #tpu.memory_space<vmem>> -> memref<1x125xi32, #tpu.memory_space<vmem>>
        %dma_start3A_76 = tpu.memref_squeeze %dma_start3A_75 : memref<1x125xi32, #tpu.memory_space<vmem>> -> memref<125xi32, #tpu.memory_space<vmem>>
        %dma_start3A_77 = arith.constant 0 : i32
        %dma_start3A_78 = arith.constant 0 : i32
        %dma_start3A_79 = tpu.memref_slice %arg11[%dma_start3A_77, %dma_start3A_78] : memref<5016x128xf32, #tpu.memory_space<vmem_shared>> -> memref<5016x128xf32, #tpu.memory_space<vmem_shared>>
        tpu.enqueue_indirect_dma source(%arg8 : memref<125x128xf32, #tpu.memory_space<vmem>>) target(%dma_start3A_79 : memref<5016x128xf32, #tpu.memory_space<vmem_shared>>) offsets(%dma_start3A_76 : memref<125xi32, #tpu.memory_space<vmem>>) semaphore(%run_scoped3A : memref<!tpu.dma_semaphore, #tpu.memory_space<semaphore_mem>>) {add = true}
        %dma_wait3A_80 = arith.constant 0 : i32
        %dma_wait3A_81 = tpu.memref_slice %arg7[%add3A_45, %dma_wait3A_80] : memref<160x125xi32, #tpu.memory_space<vmem>> -> memref<1x125xi32, #tpu.memory_space<vmem>>
        %dma_wait3A_82 = tpu.memref_squeeze %dma_wait3A_81 : memref<1x125xi32, #tpu.memory_space<vmem>> -> memref<125xi32, #tpu.memory_space<vmem>>
        %dma_wait3A_83 = arith.constant 0 : i32
        %dma_wait3A_84 = arith.constant 0 : i32
        %dma_wait3A_85 = tpu.memref_slice %arg11[%dma_wait3A_83, %dma_wait3A_84] : memref<5016x128xf32, #tpu.memory_space<vmem_shared>> -> memref<5016x128xf32, #tpu.memory_space<vmem_shared>>
        tpu.wait_indirect_dma semaphore(%run_scoped3A : memref<!tpu.dma_semaphore, #tpu.memory_space<semaphore_mem>>) src(%arg8 : memref<125x128xf32, #tpu.memory_space<vmem>>) dst(%dma_wait3A_85 : memref<5016x128xf32, #tpu.memory_space<vmem_shared>>)
        tpu.yield
      }) : () -> ()
      %add3A_51 = arith.constant 2 : i32
      %add3A_52 = arith.addi %add3A_45, %add3A_51 : i32
      %lt3A = arith.constant 160 : i32
      %lt3A_53 = arith.cmpi slt, %add3A_52, %lt3A : i32
      %convert_element_type3A_54 = arith.extui %lt3A_53 : i1 to i32
      %cond3A_55 = arith.constant 0 : i32
      %cond3A_56 = arith.cmpi ne, %convert_element_type3A_54, %cond3A_55 : i32
      scf.if %cond3A_56 {
        %add3A_74 = arith.constant 2 : i32
        %add3A_75 = arith.addi %add3A_45, %add3A_74 : i32
        %dma_start3A_76 = arith.constant 0 : i32
        %dma_start3A_77 = tpu.memref_slice %arg6[%add3A_75, %dma_start3A_76] : memref<160x125xi32, #tpu.memory_space<vmem>> -> memref<1x125xi32, #tpu.memory_space<vmem>>
        %dma_start3A_78 = tpu.memref_squeeze %dma_start3A_77 : memref<1x125xi32, #tpu.memory_space<vmem>> -> memref<125xi32, #tpu.memory_space<vmem>>
        %dma_start3A_79 = arith.constant 0 : i32
        %dma_start3A_80 = arith.constant 0 : i32
        %dma_start3A_81 = tpu.memref_slice %arg2[%dma_start3A_79, %dma_start3A_80] : memref<10000x128xf32, #tpu.memory_space<hbm>> -> memref<10000x128xf32, #tpu.memory_space<hbm>>
        tpu.enqueue_indirect_dma source(%dma_start3A_81 : memref<10000x128xf32, #tpu.memory_space<hbm>>) target(%arg8 : memref<125x128xf32, #tpu.memory_space<vmem>>) offsets(%dma_start3A_78 : memref<125xi32, #tpu.memory_space<vmem>>) semaphore(%arg12 : memref<!tpu.dma_semaphore, #tpu.memory_space<semaphore_mem>>)
      } else {
      }
      %add3A_57 = arith.constant 1 : i32
      %add3A_58 = arith.addi %add3A_45, %add3A_57 : i32
      %dma_wait3A_59 = arith.constant 0 : i32
      %dma_wait3A_60 = tpu.memref_slice %arg6[%add3A_58, %dma_wait3A_59] : memref<160x125xi32, #tpu.memory_space<vmem>> -> memref<1x125xi32, #tpu.memory_space<vmem>>
      %dma_wait3A_61 = tpu.memref_squeeze %dma_wait3A_60 : memref<1x125xi32, #tpu.memory_space<vmem>> -> memref<125xi32, #tpu.memory_space<vmem>>
      %dma_wait3A_62 = arith.constant 0 : i32
      %dma_wait3A_63 = arith.constant 0 : i32
      %dma_wait3A_64 = tpu.memref_slice %arg2[%dma_wait3A_62, %dma_wait3A_63] : memref<10000x128xf32, #tpu.memory_space<hbm>> -> memref<10000x128xf32, #tpu.memory_space<hbm>>
      tpu.wait_indirect_dma semaphore(%arg13 : memref<!tpu.dma_semaphore, #tpu.memory_space<semaphore_mem>>) src(%dma_wait3A_64 : memref<10000x128xf32, #tpu.memory_space<hbm>>) dst(%arg9 : memref<125x128xf32, #tpu.memory_space<vmem>>)
      %add3A_65 = arith.constant 1 : i32
      %add3A_66 = arith.addi %add3A_45, %add3A_65 : i32
      "tpu.region"() ({
        %run_scoped3A = tpu.sem_alloc : memref<!tpu.dma_semaphore, #tpu.memory_space<semaphore_mem>>
        %dma_start3A_74 = arith.constant 0 : i32
        %dma_start3A_75 = tpu.memref_slice %arg7[%add3A_66, %dma_start3A_74] : memref<160x125xi32, #tpu.memory_space<vmem>> -> memref<1x125xi32, #tpu.memory_space<vmem>>
        %dma_start3A_76 = tpu.memref_squeeze %dma_start3A_75 : memref<1x125xi32, #tpu.memory_space<vmem>> -> memref<125xi32, #tpu.memory_space<vmem>>
        %dma_start3A_77 = arith.constant 0 : i32
        %dma_start3A_78 = arith.constant 0 : i32
        %dma_start3A_79 = tpu.memref_slice %arg11[%dma_start3A_77, %dma_start3A_78] : memref<5016x128xf32, #tpu.memory_space<vmem_shared>> -> memref<5016x128xf32, #tpu.memory_space<vmem_shared>>
        tpu.enqueue_indirect_dma source(%arg9 : memref<125x128xf32, #tpu.memory_space<vmem>>) target(%dma_start3A_79 : memref<5016x128xf32, #tpu.memory_space<vmem_shared>>) offsets(%dma_start3A_76 : memref<125xi32, #tpu.memory_space<vmem>>) semaphore(%run_scoped3A : memref<!tpu.dma_semaphore, #tpu.memory_space<semaphore_mem>>) {add = true}
        %dma_wait3A_80 = arith.constant 0 : i32
        %dma_wait3A_81 = tpu.memref_slice %arg7[%add3A_66, %dma_wait3A_80] : memref<160x125xi32, #tpu.memory_space<vmem>> -> memref<1x125xi32, #tpu.memory_space<vmem>>
        %dma_wait3A_82 = tpu.memref_squeeze %dma_wait3A_81 : memref<1x125xi32, #tpu.memory_space<vmem>> -> memref<125xi32, #tpu.memory_space<vmem>>
        %dma_wait3A_83 = arith.constant 0 : i32
        %dma_wait3A_84 = arith.constant 0 : i32
        %dma_wait3A_85 = tpu.memref_slice %arg11[%dma_wait3A_83, %dma_wait3A_84] : memref<5016x128xf32, #tpu.memory_space<vmem_shared>> -> memref<5016x128xf32, #tpu.memory_space<vmem_shared>>
        tpu.wait_indirect_dma semaphore(%run_scoped3A : memref<!tpu.dma_semaphore, #tpu.memory_space<semaphore_mem>>) src(%arg9 : memref<125x128xf32, #tpu.memory_space<vmem>>) dst(%dma_wait3A_85 : memref<5016x128xf32, #tpu.memory_space<vmem_shared>>)
        tpu.yield
      }) : () -> ()
      %add3A_67 = arith.constant 3 : i32
      %add3A_68 = arith.addi %add3A_45, %add3A_67 : i32
      %lt3A_69 = arith.constant 160 : i32
      %lt3A_70 = arith.cmpi slt, %add3A_68, %lt3A_69 : i32
      %convert_element_type3A_71 = arith.extui %lt3A_70 : i1 to i32
      %cond3A_72 = arith.constant 0 : i32
      %cond3A_73 = arith.cmpi ne, %convert_element_type3A_71, %cond3A_72 : i32
      scf.if %cond3A_73 {
        %add3A_74 = arith.constant 3 : i32
        %add3A_75 = arith.addi %add3A_45, %add3A_74 : i32
        %dma_start3A_76 = arith.constant 0 : i32
        %dma_start3A_77 = tpu.memref_slice %arg6[%add3A_75, %dma_start3A_76] : memref<160x125xi32, #tpu.memory_space<vmem>> -> memref<1x125xi32, #tpu.memory_space<vmem>>
        %dma_start3A_78 = tpu.memref_squeeze %dma_start3A_77 : memref<1x125xi32, #tpu.memory_space<vmem>> -> memref<125xi32, #tpu.memory_space<vmem>>
        %dma_start3A_79 = arith.constant 0 : i32
        %dma_start3A_80 = arith.constant 0 : i32
        %dma_start3A_81 = tpu.memref_slice %arg2[%dma_start3A_79, %dma_start3A_80] : memref<10000x128xf32, #tpu.memory_space<hbm>> -> memref<10000x128xf32, #tpu.memory_space<hbm>>
        tpu.enqueue_indirect_dma source(%dma_start3A_81 : memref<10000x128xf32, #tpu.memory_space<hbm>>) target(%arg9 : memref<125x128xf32, #tpu.memory_space<vmem>>) offsets(%dma_start3A_78 : memref<125xi32, #tpu.memory_space<vmem>>) semaphore(%arg13 : memref<!tpu.dma_semaphore, #tpu.memory_space<semaphore_mem>>)
      } else {
      }
    }
    %scan3A_29 = arith.constant 80 : i32
    %barrier3A_30 = arith.constant 0 : index
    tpu.barrier barrier_id(%barrier3A_30)
    %mul3A = arith.constant 312 : i32
    %mul3A_31 = arith.muli %arg1, %mul3A : i32
    %mul3A_32 = arith.constant 5000 : i32
    %mul3A_33 = arith.muli %arg0, %mul3A_32 : i32
    %mul3A_34 = arith.constant 312 : i32
    %mul3A_35 = arith.muli %arg1, %mul3A_34 : i32
    %add3A = arith.addi %mul3A_33, %mul3A_35 : i32
    "tpu.region"() ({
      %run_scoped3A = tpu.sem_alloc : memref<!tpu.dma_semaphore, #tpu.memory_space<semaphore_mem>>
      %dma_start3A_41 = arith.constant 0 : i32
      %dma_start3A_42 = tpu.memref_slice %arg5[%add3A, %dma_start3A_41] : memref<10000x128xf32, #tpu.memory_space<hbm>> -> memref<312x128xf32, #tpu.memory_space<hbm>>
      %dma_start3A_43 = arith.constant 0 : i32
      %dma_start3A_44 = tpu.memref_slice %arg11[%mul3A_31, %dma_start3A_43] : memref<5016x128xf32, #tpu.memory_space<vmem_shared>> -> memref<312x128xf32, #tpu.memory_space<vmem_shared>>
      tpu.enqueue_dma source(%dma_start3A_44 : memref<312x128xf32, #tpu.memory_space<vmem_shared>>) target(%dma_start3A_42 : memref<312x128xf32, #tpu.memory_space<hbm>>) target_semaphore(%run_scoped3A : memref<!tpu.dma_semaphore, #tpu.memory_space<semaphore_mem>>)
      %dma_wait3A = arith.constant 0 : i32
      %dma_wait3A_45 = tpu.memref_slice %arg5[%add3A, %dma_wait3A] : memref<10000x128xf32, #tpu.memory_space<hbm>> -> memref<312x128xf32, #tpu.memory_space<hbm>>
      %dma_wait3A_46 = arith.constant 0 : i32
      %dma_wait3A_47 = tpu.memref_slice %arg11[%mul3A_31, %dma_wait3A_46] : memref<5016x128xf32, #tpu.memory_space<vmem_shared>> -> memref<312x128xf32, #tpu.memory_space<vmem_shared>>
      tpu.wait_dma2 semaphore(%run_scoped3A : memref<!tpu.dma_semaphore, #tpu.memory_space<semaphore_mem>>) src(%dma_wait3A_47 : memref<312x128xf32, #tpu.memory_space<vmem_shared>>) dst(%dma_wait3A_45 : memref<312x128xf32, #tpu.memory_space<hbm>>)
      tpu.yield
    }) : () -> ()
    %eq3A_36 = arith.constant 15 : i32
    %eq3A_37 = arith.cmpi eq, %arg1, %eq3A_36 : i32
    %convert_element_type3A_38 = arith.extui %eq3A_37 : i1 to i32
    %cond3A_39 = arith.constant 0 : i32
    %cond3A_40 = arith.cmpi ne, %convert_element_type3A_38, %cond3A_39 : i32
    scf.if %cond3A_40 {
      %mul3A_41 = arith.constant 5000 : i32
      %mul3A_42 = arith.muli %arg0, %mul3A_41 : i32
      %add3A_43 = arith.constant 4992 : i32
      %add3A_44 = arith.addi %mul3A_42, %add3A_43 : i32
      "tpu.region"() ({
        %run_scoped3A = tpu.sem_alloc : memref<!tpu.dma_semaphore, #tpu.memory_space<semaphore_mem>>
        %dma_start3A_45 = arith.constant 0 : i32
        %dma_start3A_46 = tpu.memref_slice %arg5[%add3A_44, %dma_start3A_45] : memref<10000x128xf32, #tpu.memory_space<hbm>> -> memref<8x128xf32, #tpu.memory_space<hbm>>
        %dma_start3A_47 = arith.constant 4992 : i32
        %dma_start3A_48 = arith.constant 0 : i32
        %dma_start3A_49 = tpu.memref_slice %arg11[%dma_start3A_47, %dma_start3A_48] : memref<5016x128xf32, #tpu.memory_space<vmem_shared>> -> memref<8x128xf32, #tpu.memory_space<vmem_shared>>
        tpu.enqueue_dma source(%dma_start3A_49 : memref<8x128xf32, #tpu.memory_space<vmem_shared>>) target(%dma_start3A_46 : memref<8x128xf32, #tpu.memory_space<hbm>>) target_semaphore(%run_scoped3A : memref<!tpu.dma_semaphore, #tpu.memory_space<semaphore_mem>>)
        %dma_wait3A = arith.constant 0 : i32
        %dma_wait3A_50 = tpu.memref_slice %arg5[%add3A_44, %dma_wait3A] : memref<10000x128xf32, #tpu.memory_space<hbm>> -> memref<8x128xf32, #tpu.memory_space<hbm>>
        %dma_wait3A_51 = arith.constant 4992 : i32
        %dma_wait3A_52 = arith.constant 0 : i32
        %dma_wait3A_53 = tpu.memref_slice %arg11[%dma_wait3A_51, %dma_wait3A_52] : memref<5016x128xf32, #tpu.memory_space<vmem_shared>> -> memref<8x128xf32, #tpu.memory_space<vmem_shared>>
        tpu.wait_dma2 semaphore(%run_scoped3A : memref<!tpu.dma_semaphore, #tpu.memory_space<semaphore_mem>>) src(%dma_wait3A_53 : memref<8x128xf32, #tpu.memory_space<vmem_shared>>) dst(%dma_wait3A_50 : memref<8x128xf32, #tpu.memory_space<hbm>>)
        tpu.yield
      }) : () -> ()
    } else {
    }
    return
  }
}

#map = affine_map<(d0, d1) -> (0, 0)>
#map1 = affine_map<(d0, d1) -> (0, 0, 0)>
#map2 = affine_map<(d0, d1) -> (0, 0, 0, 0)>
module attributes {stable_mosaic.version = 14 : i64} {
  func.func @k(%arg0: i32, %arg1: i32, %arg2: memref<10000x128xf32, #tpu.memory_space<hbm>>, %arg3: memref<16x160x125xi32, #tpu.memory_space<hbm>>, %arg4: memref<2x16x160x125xi32, #tpu.memory_space<hbm>>, %arg5: memref<10000x128xf32, #tpu.memory_space<hbm>>, %arg6: memref<160x125xi32, #tpu.memory_space<vmem>>, %arg7: memref<160x125xi32, #tpu.memory_space<vmem>>, %arg8: memref<125x128xf32, #tpu.memory_space<vmem>>, %arg9: memref<125x128xf32, #tpu.memory_space<vmem>>, %arg10: memref<104x128xf32, #tpu.memory_space<vmem>>, %arg11: memref<5016x128xf32, #tpu.memory_space<vmem_shared>>, %arg12: memref<!tpu.dma_semaphore, #tpu.memory_space<semaphore_mem>>, %arg13: memref<!tpu.dma_semaphore, #tpu.memory_space<semaphore_mem>>) attributes {dimension_semantics = [#tpu.dimension_semantics<core_parallel>, #tpu.dimension_semantics<subcore_parallel>], iteration_bounds = array<i64: 2, 16>, scalar_prefetch = 0 : i64, scratch_operands = 8 : i64, tpu.core_type = #tpu.core_type<sc_vector_subcore>, window_params = [{transform_indices = #map}, {transform_indices = #map1}, {transform_indices = #map2}, {transform_indices = #map}]} {
    "tpu.region"() ({
      %run_scoped3A = tpu.sem_alloc : memref<!tpu.dma_semaphore, #tpu.memory_space<semaphore_mem>>
      %dma_start3A_41 = arith.constant 0 : i32
      %dma_start3A_42 = arith.constant 0 : i32
      %dma_start3A_43 = tpu.memref_slice %arg3[%arg1, %dma_start3A_41, %dma_start3A_42] : memref<16x160x125xi32, #tpu.memory_space<hbm>> -> memref<1x160x125xi32, #tpu.memory_space<hbm>>
      %dma_start3A_44 = tpu.memref_squeeze %dma_start3A_43 : memref<1x160x125xi32, #tpu.memory_space<hbm>> -> memref<160x125xi32, #tpu.memory_space<hbm>>
      %dma_start3A_45 = arith.constant 0 : i32
      %dma_start3A_46 = arith.constant 0 : i32
      %dma_start3A_47 = tpu.memref_slice %arg3[%arg1, %dma_start3A_45, %dma_start3A_46] : memref<16x160x125xi32, #tpu.memory_space<hbm>> -> memref<1x160x125xi32, #tpu.memory_space<hbm>>
      %dma_start3A_48 = tpu.memref_squeeze %dma_start3A_47 : memref<1x160x125xi32, #tpu.memory_space<hbm>> -> memref<160x125xi32, #tpu.memory_space<hbm>>
      tpu.enqueue_dma source(%dma_start3A_48 : memref<160x125xi32, #tpu.memory_space<hbm>>) target(%arg6 : memref<160x125xi32, #tpu.memory_space<vmem>>) target_semaphore(%run_scoped3A : memref<!tpu.dma_semaphore, #tpu.memory_space<semaphore_mem>>)
      %dma_wait3A = arith.constant 0 : i32
      %dma_wait3A_49 = arith.constant 0 : i32
      %dma_wait3A_50 = tpu.memref_slice %arg3[%arg1, %dma_wait3A, %dma_wait3A_49] : memref<16x160x125xi32, #tpu.memory_space<hbm>> -> memref<1x160x125xi32, #tpu.memory_space<hbm>>
      %dma_wait3A_51 = tpu.memref_squeeze %dma_wait3A_50 : memref<1x160x125xi32, #tpu.memory_space<hbm>> -> memref<160x125xi32, #tpu.memory_space<hbm>>
      %dma_wait3A_52 = arith.constant 0 : i32
      %dma_wait3A_53 = arith.constant 0 : i32
      %dma_wait3A_54 = tpu.memref_slice %arg3[%arg1, %dma_wait3A_52, %dma_wait3A_53] : memref<16x160x125xi32, #tpu.memory_space<hbm>> -> memref<1x160x125xi32, #tpu.memory_space<hbm>>
      %dma_wait3A_55 = tpu.memref_squeeze %dma_wait3A_54 : memref<1x160x125xi32, #tpu.memory_space<hbm>> -> memref<160x125xi32, #tpu.memory_space<hbm>>
      tpu.wait_dma2 semaphore(%run_scoped3A : memref<!tpu.dma_semaphore, #tpu.memory_space<semaphore_mem>>) src(%dma_wait3A_55 : memref<160x125xi32, #tpu.memory_space<hbm>>) dst(%arg6 : memref<160x125xi32, #tpu.memory_space<vmem>>)
      tpu.yield
    }) : () -> ()
    "tpu.region"() ({
      %run_scoped3A = tpu.sem_alloc : memref<!tpu.dma_semaphore, #tpu.memory_space<semaphore_mem>>
      %dma_start3A_41 = arith.constant 0 : i32
      %dma_start3A_42 = arith.constant 0 : i32
      %dma_start3A_43 = tpu.memref_slice %arg4[%arg0, %arg1, %dma_start3A_41, %dma_start3A_42] : memref<2x16x160x125xi32, #tpu.memory_space<hbm>> -> memref<1x1x160x125xi32, #tpu.memory_space<hbm>>
      %dma_start3A_44 = tpu.memref_squeeze %dma_start3A_43 : memref<1x1x160x125xi32, #tpu.memory_space<hbm>> -> memref<160x125xi32, #tpu.memory_space<hbm>>
      %dma_start3A_45 = arith.constant 0 : i32
      %dma_start3A_46 = arith.constant 0 : i32
      %dma_start3A_47 = tpu.memref_slice %arg4[%arg0, %arg1, %dma_start3A_45, %dma_start3A_46] : memref<2x16x160x125xi32, #tpu.memory_space<hbm>> -> memref<1x1x160x125xi32, #tpu.memory_space<hbm>>
      %dma_start3A_48 = tpu.memref_squeeze %dma_start3A_47 : memref<1x1x160x125xi32, #tpu.memory_space<hbm>> -> memref<160x125xi32, #tpu.memory_space<hbm>>
      tpu.enqueue_dma source(%dma_start3A_48 : memref<160x125xi32, #tpu.memory_space<hbm>>) target(%arg7 : memref<160x125xi32, #tpu.memory_space<vmem>>) target_semaphore(%run_scoped3A : memref<!tpu.dma_semaphore, #tpu.memory_space<semaphore_mem>>)
      %dma_wait3A = arith.constant 0 : i32
      %dma_wait3A_49 = arith.constant 0 : i32
      %dma_wait3A_50 = tpu.memref_slice %arg4[%arg0, %arg1, %dma_wait3A, %dma_wait3A_49] : memref<2x16x160x125xi32, #tpu.memory_space<hbm>> -> memref<1x1x160x125xi32, #tpu.memory_space<hbm>>
      %dma_wait3A_51 = tpu.memref_squeeze %dma_wait3A_50 : memref<1x1x160x125xi32, #tpu.memory_space<hbm>> -> memref<160x125xi32, #tpu.memory_space<hbm>>
      %dma_wait3A_52 = arith.constant 0 : i32
      %dma_wait3A_53 = arith.constant 0 : i32
      %dma_wait3A_54 = tpu.memref_slice %arg4[%arg0, %arg1, %dma_wait3A_52, %dma_wait3A_53] : memref<2x16x160x125xi32, #tpu.memory_space<hbm>> -> memref<1x1x160x125xi32, #tpu.memory_space<hbm>>
      %dma_wait3A_55 = tpu.memref_squeeze %dma_wait3A_54 : memref<1x1x160x125xi32, #tpu.memory_space<hbm>> -> memref<160x125xi32, #tpu.memory_space<hbm>>
      tpu.wait_dma2 semaphore(%run_scoped3A : memref<!tpu.dma_semaphore, #tpu.memory_space<semaphore_mem>>) src(%dma_wait3A_55 : memref<160x125xi32, #tpu.memory_space<hbm>>) dst(%arg7 : memref<160x125xi32, #tpu.memory_space<vmem>>)
      tpu.yield
    }) : () -> ()
    %broadcast_in_dim3A = arith.constant 0.000000e+00 : f32
    %broadcast_in_dim3A_0 = vector.broadcast %broadcast_in_dim3A : f32 to vector<16xf32>
    %scan3A = arith.constant 0 : i32
    %scan3A_1 = arith.constant 104 : i32
    %scan3A_2 = arith.addi %scan3A, %scan3A_1 : i32
    %scan3A_3 = arith.constant 1 : i32
    scf.for %scan3A_41 = %scan3A to %scan3A_2 step %scan3A_3  : i32 {
      %mul3A_42 = arith.constant 1 : i32
      %mul3A_43 = arith.muli %scan3A_41, %mul3A_42 : i32
      %add3A_44 = arith.constant 0 : i32
      %add3A_45 = arith.addi %add3A_44, %mul3A_43 : i32
      %scan3A_46 = arith.constant 0 : i32
      %scan3A_47 = arith.constant 8 : i32
      %scan3A_48 = arith.addi %scan3A_46, %scan3A_47 : i32
      %scan3A_49 = arith.constant 1 : i32
      scf.for %scan3A_51 = %scan3A_46 to %scan3A_48 step %scan3A_49  : i32 {
        %mul3A_52 = arith.constant 16 : i32
        %mul3A_53 = arith.muli %scan3A_51, %mul3A_52 : i32
        %add3A_54 = arith.constant 0 : i32
        %add3A_55 = arith.addi %add3A_54, %mul3A_53 : i32
        %swap3A = arith.index_cast %add3A_45 : i32 to index
        %swap3A_56 = arith.index_cast %add3A_55 : i32 to index
        %swap3A_57 = tpu.vector_load %arg10[%swap3A, %swap3A_56] {strides = array<i32>} : memref<104x128xf32, #tpu.memory_space<vmem>>, vector<1x16xf32>,
        %swap3A_58 = vector.shape_cast %swap3A_57 : vector<1x16xf32> to vector<16xf32>
        %swap3A_59 = vector.shape_cast %broadcast_in_dim3A_0 : vector<16xf32> to vector<1x16xf32>
        tpu.vector_store %arg10[%swap3A, %swap3A_56], %swap3A_59 {strides = array<i32>} : memref<104x128xf32, #tpu.memory_space<vmem>>, vector<1x16xf32>,
      }
      %scan3A_50 = arith.constant 8 : i32
    }
    %scan3A_4 = arith.constant 104 : i32
    %scan3A_5 = arith.constant 0 : i32
    %scan3A_6 = arith.constant 3 : i32
    %scan3A_7 = arith.addi %scan3A_5, %scan3A_6 : i32
    %scan3A_8 = arith.constant 1 : i32
    scf.for %scan3A_41 = %scan3A_5 to %scan3A_7 step %scan3A_8  : i32 {
      %mul3A_42 = arith.constant 104 : i32
      %mul3A_43 = arith.muli %scan3A_41, %mul3A_42 : i32
      %add3A_44 = arith.constant 0 : i32
      %add3A_45 = arith.addi %add3A_44, %mul3A_43 : i32
      %mul3A_46 = arith.constant 312 : i32
      %mul3A_47 = arith.muli %arg1, %mul3A_46 : i32
      %add3A_48 = arith.addi %mul3A_47, %add3A_45 : i32
      "tpu.region"() ({
        %run_scoped3A = tpu.sem_alloc : memref<!tpu.dma_semaphore, #tpu.memory_space<semaphore_mem>>
        %dma_start3A_49 = arith.constant 0 : i32
        %dma_start3A_50 = tpu.memref_slice %arg11[%add3A_48, %dma_start3A_49] : memref<5016x128xf32, #tpu.memory_space<vmem_shared>> -> memref<104x128xf32, #tpu.memory_space<vmem_shared>>
        %dma_start3A_51 = arith.constant 0 : i32
        %dma_start3A_52 = tpu.memref_slice %arg11[%add3A_48, %dma_start3A_51] : memref<5016x128xf32, #tpu.memory_space<vmem_shared>> -> memref<104x128xf32, #tpu.memory_space<vmem_shared>>
        tpu.enqueue_dma source(%arg10 : memref<104x128xf32, #tpu.memory_space<vmem>>) target(%dma_start3A_52 : memref<104x128xf32, #tpu.memory_space<vmem_shared>>) target_semaphore(%run_scoped3A : memref<!tpu.dma_semaphore, #tpu.memory_space<semaphore_mem>>)
        %dma_wait3A = arith.constant 0 : i32
        %dma_wait3A_53 = tpu.memref_slice %arg11[%add3A_48, %dma_wait3A] : memref<5016x128xf32, #tpu.memory_space<vmem_shared>> -> memref<104x128xf32, #tpu.memory_space<vmem_shared>>
        %dma_wait3A_54 = arith.constant 0 : i32
        %dma_wait3A_55 = tpu.memref_slice %arg11[%add3A_48, %dma_wait3A_54] : memref<5016x128xf32, #tpu.memory_space<vmem_shared>> -> memref<104x128xf32, #tpu.memory_space<vmem_shared>>
        tpu.wait_dma2 semaphore(%run_scoped3A : memref<!tpu.dma_semaphore, #tpu.memory_space<semaphore_mem>>) src(%arg10 : memref<104x128xf32, #tpu.memory_space<vmem>>) dst(%dma_wait3A_55 : memref<104x128xf32, #tpu.memory_space<vmem_shared>>)
        tpu.yield
      }) : () -> ()
    }
    %scan3A_9 = arith.constant 3 : i32
    %eq3A = arith.constant 15 : i32
    %eq3A_10 = arith.cmpi eq, %arg1, %eq3A : i32
    %convert_element_type3A = arith.extui %eq3A_10 : i1 to i32
    %cond3A = arith.constant 0 : i32
    %cond3A_11 = arith.cmpi ne, %convert_element_type3A, %cond3A : i32
    scf.if %cond3A_11 {
      "tpu.region"() ({
        %run_scoped3A = tpu.sem_alloc : memref<!tpu.dma_semaphore, #tpu.memory_space<semaphore_mem>>
        %dma_start3A_41 = arith.constant 0 : i32
        %dma_start3A_42 = arith.constant 0 : i32
        %dma_start3A_43 = tpu.memref_slice %arg10[%dma_start3A_41, %dma_start3A_42] : memref<104x128xf32, #tpu.memory_space<vmem>> -> memref<24x128xf32, #tpu.memory_space<vmem>>
        %dma_start3A_44 = arith.constant 4992 : i32
        %dma_start3A_45 = arith.constant 0 : i32
        %dma_start3A_46 = tpu.memref_slice %arg11[%dma_start3A_44, %dma_start3A_45] : memref<5016x128xf32, #tpu.memory_space<vmem_shared>> -> memref<24x128xf32, #tpu.memory_space<vmem_shared>>
        %dma_start3A_47 = arith.constant 4992 : i32
        %dma_start3A_48 = arith.constant 0 : i32
        %dma_start3A_49 = tpu.memref_slice %arg11[%dma_start3A_47, %dma_start3A_48] : memref<5016x128xf32, #tpu.memory_space<vmem_shared>> -> memref<24x128xf32, #tpu.memory_space<vmem_shared>>
        %dma_start3A_50 = arith.constant 0 : i32
        %dma_start3A_51 = arith.constant 0 : i32
        %dma_start3A_52 = tpu.memref_slice %arg10[%dma_start3A_50, %dma_start3A_51] : memref<104x128xf32, #tpu.memory_space<vmem>> -> memref<24x128xf32, #tpu.memory_space<vmem>>
        tpu.enqueue_dma source(%dma_start3A_52 : memref<24x128xf32, #tpu.memory_space<vmem>>) target(%dma_start3A_49 : memref<24x128xf32, #tpu.memory_space<vmem_shared>>) target_semaphore(%run_scoped3A : memref<!tpu.dma_semaphore, #tpu.memory_space<semaphore_mem>>)
        %dma_wait3A = arith.constant 0 : i32
        %dma_wait3A_53 = arith.constant 0 : i32
        %dma_wait3A_54 = tpu.memref_slice %arg10[%dma_wait3A, %dma_wait3A_53] : memref<104x128xf32, #tpu.memory_space<vmem>> -> memref<24x128xf32, #tpu.memory_space<vmem>>
        %dma_wait3A_55 = arith.constant 4992 : i32
        %dma_wait3A_56 = arith.constant 0 : i32
        %dma_wait3A_57 = tpu.memref_slice %arg11[%dma_wait3A_55, %dma_wait3A_56] : memref<5016x128xf32, #tpu.memory_space<vmem_shared>> -> memref<24x128xf32, #tpu.memory_space<vmem_shared>>
        %dma_wait3A_58 = arith.constant 4992 : i32
        %dma_wait3A_59 = arith.constant 0 : i32
        %dma_wait3A_60 = tpu.memref_slice %arg11[%dma_wait3A_58, %dma_wait3A_59] : memref<5016x128xf32, #tpu.memory_space<vmem_shared>> -> memref<24x128xf32, #tpu.memory_space<vmem_shared>>
        %dma_wait3A_61 = arith.constant 0 : i32
        %dma_wait3A_62 = arith.constant 0 : i32
        %dma_wait3A_63 = tpu.memref_slice %arg10[%dma_wait3A_61, %dma_wait3A_62] : memref<104x128xf32, #tpu.memory_space<vmem>> -> memref<24x128xf32, #tpu.memory_space<vmem>>
        tpu.wait_dma2 semaphore(%run_scoped3A : memref<!tpu.dma_semaphore, #tpu.memory_space<semaphore_mem>>) src(%dma_wait3A_63 : memref<24x128xf32, #tpu.memory_space<vmem>>) dst(%dma_wait3A_60 : memref<24x128xf32, #tpu.memory_space<vmem_shared>>)
        tpu.yield
      }) : () -> ()
    } else {
    }
    %barrier3A = arith.constant 0 : index
    tpu.barrier barrier_id(%barrier3A)
    %dma_start3A = arith.constant 0 : i32
    %dma_start3A_12 = arith.constant 0 : i32
    %dma_start3A_13 = tpu.memref_slice %arg6[%dma_start3A, %dma_start3A_12] : memref<160x125xi32, #tpu.memory_space<vmem>> -> memref<1x125xi32, #tpu.memory_space<vmem>>
    %dma_start3A_14 = tpu.memref_squeeze %dma_start3A_13 : memref<1x125xi32, #tpu.memory_space<vmem>> -> memref<125xi32, #tpu.memory_space<vmem>>
    %dma_start3A_15 = arith.constant 0 : i32
    %dma_start3A_16 = arith.constant 0 : i32
    %dma_start3A_17 = tpu.memref_slice %arg2[%dma_start3A_15, %dma_start3A_16] : memref<10000x128xf32, #tpu.memory_space<hbm>> -> memref<10000x128xf32, #tpu.memory_space<hbm>>
    tpu.enqueue_indirect_dma source(%dma_start3A_17 : memref<10000x128xf32, #tpu.memory_space<hbm>>) target(%arg8 : memref<125x128xf32, #tpu.memory_space<vmem>>) offsets(%dma_start3A_14 : memref<125xi32, #tpu.memory_space<vmem>>) semaphore(%arg12 : memref<!tpu.dma_semaphore, #tpu.memory_space<semaphore_mem>>)
    %dma_start3A_18 = arith.constant 1 : i32
    %dma_start3A_19 = arith.constant 0 : i32
    %dma_start3A_20 = tpu.memref_slice %arg6[%dma_start3A_18, %dma_start3A_19] : memref<160x125xi32, #tpu.memory_space<vmem>> -> memref<1x125xi32, #tpu.memory_space<vmem>>
    %dma_start3A_21 = tpu.memref_squeeze %dma_start3A_20 : memref<1x125xi32, #tpu.memory_space<vmem>> -> memref<125xi32, #tpu.memory_space<vmem>>
    %dma_start3A_22 = arith.constant 0 : i32
    %dma_start3A_23 = arith.constant 0 : i32
    %dma_start3A_24 = tpu.memref_slice %arg2[%dma_start3A_22, %dma_start3A_23] : memref<10000x128xf32, #tpu.memory_space<hbm>> -> memref<10000x128xf32, #tpu.memory_space<hbm>>
    tpu.enqueue_indirect_dma source(%dma_start3A_24 : memref<10000x128xf32, #tpu.memory_space<hbm>>) target(%arg9 : memref<125x128xf32, #tpu.memory_space<vmem>>) offsets(%dma_start3A_21 : memref<125xi32, #tpu.memory_space<vmem>>) semaphore(%arg13 : memref<!tpu.dma_semaphore, #tpu.memory_space<semaphore_mem>>)
    %scan3A_25 = arith.constant 0 : i32
    %scan3A_26 = arith.constant 80 : i32
    %scan3A_27 = arith.addi %scan3A_25, %scan3A_26 : i32
    %scan3A_28 = arith.constant 1 : i32
    scf.for %scan3A_41 = %scan3A_25 to %scan3A_27 step %scan3A_28  : i32 {
      %mul3A_42 = arith.constant 2 : i32
      %mul3A_43 = arith.muli %scan3A_41, %mul3A_42 : i32
      %add3A_44 = arith.constant 0 : i32
      %add3A_45 = arith.addi %add3A_44, %mul3A_43 : i32
      %dma_wait3A = arith.constant 0 : i32
      %dma_wait3A_46 = tpu.memref_slice %arg6[%add3A_45, %dma_wait3A] : memref<160x125xi32, #tpu.memory_space<vmem>> -> memref<1x125xi32, #tpu.memory_space<vmem>>
      %dma_wait3A_47 = tpu.memref_squeeze %dma_wait3A_46 : memref<1x125xi32, #tpu.memory_space<vmem>> -> memref<125xi32, #tpu.memory_space<vmem>>
      %dma_wait3A_48 = arith.constant 0 : i32
      %dma_wait3A_49 = arith.constant 0 : i32
      %dma_wait3A_50 = tpu.memref_slice %arg2[%dma_wait3A_48, %dma_wait3A_49] : memref<10000x128xf32, #tpu.memory_space<hbm>> -> memref<10000x128xf32, #tpu.memory_space<hbm>>
      tpu.wait_indirect_dma semaphore(%arg12 : memref<!tpu.dma_semaphore, #tpu.memory_space<semaphore_mem>>) src(%dma_wait3A_50 : memref<10000x128xf32, #tpu.memory_space<hbm>>) dst(%arg8 : memref<125x128xf32, #tpu.memory_space<vmem>>)
      "tpu.region"() ({
        %run_scoped3A = tpu.sem_alloc : memref<!tpu.dma_semaphore, #tpu.memory_space<semaphore_mem>>
        %dma_start3A_74 = arith.constant 0 : i32
        %dma_start3A_75 = tpu.memref_slice %arg7[%add3A_45, %dma_start3A_74] : memref<160x125xi32, #tpu.memory_space<vmem>> -> memref<1x125xi32, #tpu.memory_space<vmem>>
        %dma_start3A_76 = tpu.memref_squeeze %dma_start3A_75 : memref<1x125xi32, #tpu.memory_space<vmem>> -> memref<125xi32, #tpu.memory_space<vmem>>
        %dma_start3A_77 = arith.constant 0 : i32
        %dma_start3A_78 = arith.constant 0 : i32
        %dma_start3A_79 = tpu.memref_slice %arg11[%dma_start3A_77, %dma_start3A_78] : memref<5016x128xf32, #tpu.memory_space<vmem_shared>> -> memref<5016x128xf32, #tpu.memory_space<vmem_shared>>
        tpu.enqueue_indirect_dma source(%arg8 : memref<125x128xf32, #tpu.memory_space<vmem>>) target(%dma_start3A_79 : memref<5016x128xf32, #tpu.memory_space<vmem_shared>>) offsets(%dma_start3A_76 : memref<125xi32, #tpu.memory_space<vmem>>) semaphore(%run_scoped3A : memref<!tpu.dma_semaphore, #tpu.memory_space<semaphore_mem>>) {add = true}
        %dma_wait3A_80 = arith.constant 0 : i32
        %dma_wait3A_81 = tpu.memref_slice %arg7[%add3A_45, %dma_wait3A_80] : memref<160x125xi32, #tpu.memory_space<vmem>> -> memref<1x125xi32, #tpu.memory_space<vmem>>
        %dma_wait3A_82 = tpu.memref_squeeze %dma_wait3A_81 : memref<1x125xi32, #tpu.memory_space<vmem>> -> memref<125xi32, #tpu.memory_space<vmem>>
        %dma_wait3A_83 = arith.constant 0 : i32
        %dma_wait3A_84 = arith.constant 0 : i32
        %dma_wait3A_85 = tpu.memref_slice %arg11[%dma_wait3A_83, %dma_wait3A_84] : memref<5016x128xf32, #tpu.memory_space<vmem_shared>> -> memref<5016x128xf32, #tpu.memory_space<vmem_shared>>
        tpu.wait_indirect_dma semaphore(%run_scoped3A : memref<!tpu.dma_semaphore, #tpu.memory_space<semaphore_mem>>) src(%arg8 : memref<125x128xf32, #tpu.memory_space<vmem>>) dst(%dma_wait3A_85 : memref<5016x128xf32, #tpu.memory_space<vmem_shared>>)
        tpu.yield
      }) : () -> ()
      %add3A_51 = arith.constant 2 : i32
      %add3A_52 = arith.addi %add3A_45, %add3A_51 : i32
      %lt3A = arith.constant 160 : i32
      %lt3A_53 = arith.cmpi slt, %add3A_52, %lt3A : i32
      %convert_element_type3A_54 = arith.extui %lt3A_53 : i1 to i32
      %cond3A_55 = arith.constant 0 : i32
      %cond3A_56 = arith.cmpi ne, %convert_element_type3A_54, %cond3A_55 : i32
      scf.if %cond3A_56 {
        %add3A_74 = arith.constant 2 : i32
        %add3A_75 = arith.addi %add3A_45, %add3A_74 : i32
        %dma_start3A_76 = arith.constant 0 : i32
        %dma_start3A_77 = tpu.memref_slice %arg6[%add3A_75, %dma_start3A_76] : memref<160x125xi32, #tpu.memory_space<vmem>> -> memref<1x125xi32, #tpu.memory_space<vmem>>
        %dma_start3A_78 = tpu.memref_squeeze %dma_start3A_77 : memref<1x125xi32, #tpu.memory_space<vmem>> -> memref<125xi32, #tpu.memory_space<vmem>>
        %dma_start3A_79 = arith.constant 0 : i32
        %dma_start3A_80 = arith.constant 0 : i32
        %dma_start3A_81 = tpu.memref_slice %arg2[%dma_start3A_79, %dma_start3A_80] : memref<10000x128xf32, #tpu.memory_space<hbm>> -> memref<10000x128xf32, #tpu.memory_space<hbm>>
        tpu.enqueue_indirect_dma source(%dma_start3A_81 : memref<10000x128xf32, #tpu.memory_space<hbm>>) target(%arg8 : memref<125x128xf32, #tpu.memory_space<vmem>>) offsets(%dma_start3A_78 : memref<125xi32, #tpu.memory_space<vmem>>) semaphore(%arg12 : memref<!tpu.dma_semaphore, #tpu.memory_space<semaphore_mem>>)
      } else {
      }
      %add3A_57 = arith.constant 1 : i32
      %add3A_58 = arith.addi %add3A_45, %add3A_57 : i32
      %dma_wait3A_59 = arith.constant 0 : i32
      %dma_wait3A_60 = tpu.memref_slice %arg6[%add3A_58, %dma_wait3A_59] : memref<160x125xi32, #tpu.memory_space<vmem>> -> memref<1x125xi32, #tpu.memory_space<vmem>>
      %dma_wait3A_61 = tpu.memref_squeeze %dma_wait3A_60 : memref<1x125xi32, #tpu.memory_space<vmem>> -> memref<125xi32, #tpu.memory_space<vmem>>
      %dma_wait3A_62 = arith.constant 0 : i32
      %dma_wait3A_63 = arith.constant 0 : i32
      %dma_wait3A_64 = tpu.memref_slice %arg2[%dma_wait3A_62, %dma_wait3A_63] : memref<10000x128xf32, #tpu.memory_space<hbm>> -> memref<10000x128xf32, #tpu.memory_space<hbm>>
      tpu.wait_indirect_dma semaphore(%arg13 : memref<!tpu.dma_semaphore, #tpu.memory_space<semaphore_mem>>) src(%dma_wait3A_64 : memref<10000x128xf32, #tpu.memory_space<hbm>>) dst(%arg9 : memref<125x128xf32, #tpu.memory_space<vmem>>)
      %add3A_65 = arith.constant 1 : i32
      %add3A_66 = arith.addi %add3A_45, %add3A_65 : i32
      "tpu.region"() ({
        %run_scoped3A = tpu.sem_alloc : memref<!tpu.dma_semaphore, #tpu.memory_space<semaphore_mem>>
        %dma_start3A_74 = arith.constant 0 : i32
        %dma_start3A_75 = tpu.memref_slice %arg7[%add3A_66, %dma_start3A_74] : memref<160x125xi32, #tpu.memory_space<vmem>> -> memref<1x125xi32, #tpu.memory_space<vmem>>
        %dma_start3A_76 = tpu.memref_squeeze %dma_start3A_75 : memref<1x125xi32, #tpu.memory_space<vmem>> -> memref<125xi32, #tpu.memory_space<vmem>>
        %dma_start3A_77 = arith.constant 0 : i32
        %dma_start3A_78 = arith.constant 0 : i32
        %dma_start3A_79 = tpu.memref_slice %arg11[%dma_start3A_77, %dma_start3A_78] : memref<5016x128xf32, #tpu.memory_space<vmem_shared>> -> memref<5016x128xf32, #tpu.memory_space<vmem_shared>>
        tpu.enqueue_indirect_dma source(%arg9 : memref<125x128xf32, #tpu.memory_space<vmem>>) target(%dma_start3A_79 : memref<5016x128xf32, #tpu.memory_space<vmem_shared>>) offsets(%dma_start3A_76 : memref<125xi32, #tpu.memory_space<vmem>>) semaphore(%run_scoped3A : memref<!tpu.dma_semaphore, #tpu.memory_space<semaphore_mem>>) {add = true}
        %dma_wait3A_80 = arith.constant 0 : i32
        %dma_wait3A_81 = tpu.memref_slice %arg7[%add3A_66, %dma_wait3A_80] : memref<160x125xi32, #tpu.memory_space<vmem>> -> memref<1x125xi32, #tpu.memory_space<vmem>>
        %dma_wait3A_82 = tpu.memref_squeeze %dma_wait3A_81 : memref<1x125xi32, #tpu.memory_space<vmem>> -> memref<125xi32, #tpu.memory_space<vmem>>
        %dma_wait3A_83 = arith.constant 0 : i32
        %dma_wait3A_84 = arith.constant 0 : i32
        %dma_wait3A_85 = tpu.memref_slice %arg11[%dma_wait3A_83, %dma_wait3A_84] : memref<5016x128xf32, #tpu.memory_space<vmem_shared>> -> memref<5016x128xf32, #tpu.memory_space<vmem_shared>>
        tpu.wait_indirect_dma semaphore(%run_scoped3A : memref<!tpu.dma_semaphore, #tpu.memory_space<semaphore_mem>>) src(%arg9 : memref<125x128xf32, #tpu.memory_space<vmem>>) dst(%dma_wait3A_85 : memref<5016x128xf32, #tpu.memory_space<vmem_shared>>)
        tpu.yield
      }) : () -> ()
      %add3A_67 = arith.constant 3 : i32
      %add3A_68 = arith.addi %add3A_45, %add3A_67 : i32
      %lt3A_69 = arith.constant 160 : i32
      %lt3A_70 = arith.cmpi slt, %add3A_68, %lt3A_69 : i32
      %convert_element_type3A_71 = arith.extui %lt3A_70 : i1 to i32
      %cond3A_72 = arith.constant 0 : i32
      %cond3A_73 = arith.cmpi ne, %convert_element_type3A_71, %cond3A_72 : i32
      scf.if %cond3A_73 {
        %add3A_74 = arith.constant 3 : i32
        %add3A_75 = arith.addi %add3A_45, %add3A_74 : i32
        %dma_start3A_76 = arith.constant 0 : i32
        %dma_start3A_77 = tpu.memref_slice %arg6[%add3A_75, %dma_start3A_76] : memref<160x125xi32, #tpu.memory_space<vmem>> -> memref<1x125xi32, #tpu.memory_space<vmem>>
        %dma_start3A_78 = tpu.memref_squeeze %dma_start3A_77 : memref<1x125xi32, #tpu.memory_space<vmem>> -> memref<125xi32, #tpu.memory_space<vmem>>
        %dma_start3A_79 = arith.constant 0 : i32
        %dma_start3A_80 = arith.constant 0 : i32
        %dma_start3A_81 = tpu.memref_slice %arg2[%dma_start3A_79, %dma_start3A_80] : memref<10000x128xf32, #tpu.memory_space<hbm>> -> memref<10000x128xf32, #tpu.memory_space<hbm>>
        tpu.enqueue_indirect_dma source(%dma_start3A_81 : memref<10000x128xf32, #tpu.memory_space<hbm>>) target(%arg9 : memref<125x128xf32, #tpu.memory_space<vmem>>) offsets(%dma_start3A_78 : memref<125xi32, #tpu.memory_space<vmem>>) semaphore(%arg13 : memref<!tpu.dma_semaphore, #tpu.memory_space<semaphore_mem>>)
      } else {
      }
    }
    %scan3A_29 = arith.constant 80 : i32
    %barrier3A_30 = arith.constant 0 : index
    tpu.barrier barrier_id(%barrier3A_30)
    %mul3A = arith.constant 312 : i32
    %mul3A_31 = arith.muli %arg1, %mul3A : i32
    %mul3A_32 = arith.constant 5000 : i32
    %mul3A_33 = arith.muli %arg0, %mul3A_32 : i32
    %mul3A_34 = arith.constant 312 : i32
    %mul3A_35 = arith.muli %arg1, %mul3A_34 : i32
    %add3A = arith.addi %mul3A_33, %mul3A_35 : i32
    "tpu.region"() ({
      %run_scoped3A = tpu.sem_alloc : memref<!tpu.dma_semaphore, #tpu.memory_space<semaphore_mem>>
      %dma_start3A_41 = arith.constant 0 : i32
      %dma_start3A_42 = tpu.memref_slice %arg5[%add3A, %dma_start3A_41] : memref<10000x128xf32, #tpu.memory_space<hbm>> -> memref<312x128xf32, #tpu.memory_space<hbm>>
      %dma_start3A_43 = arith.constant 0 : i32
      %dma_start3A_44 = tpu.memref_slice %arg11[%mul3A_31, %dma_start3A_43] : memref<5016x128xf32, #tpu.memory_space<vmem_shared>> -> memref<312x128xf32, #tpu.memory_space<vmem_shared>>
      tpu.enqueue_dma source(%dma_start3A_44 : memref<312x128xf32, #tpu.memory_space<vmem_shared>>) target(%dma_start3A_42 : memref<312x128xf32, #tpu.memory_space<hbm>>) target_semaphore(%run_scoped3A : memref<!tpu.dma_semaphore, #tpu.memory_space<semaphore_mem>>)
      %dma_wait3A = arith.constant 0 : i32
      %dma_wait3A_45 = tpu.memref_slice %arg5[%add3A, %dma_wait3A] : memref<10000x128xf32, #tpu.memory_space<hbm>> -> memref<312x128xf32, #tpu.memory_space<hbm>>
      %dma_wait3A_46 = arith.constant 0 : i32
      %dma_wait3A_47 = tpu.memref_slice %arg11[%mul3A_31, %dma_wait3A_46] : memref<5016x128xf32, #tpu.memory_space<vmem_shared>> -> memref<312x128xf32, #tpu.memory_space<vmem_shared>>
      tpu.wait_dma2 semaphore(%run_scoped3A : memref<!tpu.dma_semaphore, #tpu.memory_space<semaphore_mem>>) src(%dma_wait3A_47 : memref<312x128xf32, #tpu.memory_space<vmem_shared>>) dst(%dma_wait3A_45 : memref<312x128xf32, #tpu.memory_space<hbm>>)
      tpu.yield
    }) : () -> ()
    %eq3A_36 = arith.constant 15 : i32
    %eq3A_37 = arith.cmpi eq, %arg1, %eq3A_36 : i32
    %convert_element_type3A_38 = arith.extui %eq3A_37 : i1 to i32
    %cond3A_39 = arith.constant 0 : i32
    %cond3A_40 = arith.cmpi ne, %convert_element_type3A_38, %cond3A_39 : i32
    scf.if %cond3A_40 {
      %mul3A_41 = arith.constant 5000 : i32
      %mul3A_42 = arith.muli %arg0, %mul3A_41 : i32
      %add3A_43 = arith.constant 4992 : i32
      %add3A_44 = arith.addi %mul3A_42, %add3A_43 : i32
      "tpu.region"() ({
        %run_scoped3A = tpu.sem_alloc : memref<!tpu.dma_semaphore, #tpu.memory_space<semaphore_mem>>
        %dma_start3A_45 = arith.constant 0 : i32
        %dma_start3A_46 = tpu.memref_slice %arg5[%add3A_44, %dma_start3A_45] : memref<10000x128xf32, #tpu.memory_space<hbm>> -> memref<8x128xf32, #tpu.memory_space<hbm>>
        %dma_start3A_47 = arith.constant 4992 : i32
        %dma_start3A_48 = arith.constant 0 : i32
        %dma_start3A_49 = tpu.memref_slice %arg11[%dma_start3A_47, %dma_start3A_48] : memref<5016x128xf32, #tpu.memory_space<vmem_shared>> -> memref<8x128xf32, #tpu.memory_space<vmem_shared>>
        tpu.enqueue_dma source(%dma_start3A_49 : memref<8x128xf32, #tpu.memory_space<vmem_shared>>) target(%dma_start3A_46 : memref<8x128xf32, #tpu.memory_space<hbm>>) target_semaphore(%run_scoped3A : memref<!tpu.dma_semaphore, #tpu.memory_space<semaphore_mem>>)
        %dma_wait3A = arith.constant 0 : i32
        %dma_wait3A_50 = tpu.memref_slice %arg5[%add3A_44, %dma_wait3A] : memref<10000x128xf32, #tpu.memory_space<hbm>> -> memref<8x128xf32, #tpu.memory_space<hbm>>
        %dma_wait3A_51 = arith.constant 4992 : i32
        %dma_wait3A_52 = arith.constant 0 : i32
        %dma_wait3A_53 = tpu.memref_slice %arg11[%dma_wait3A_51, %dma_wait3A_52] : memref<5016x128xf32, #tpu.memory_space<vmem_shared>> -> memref<8x128xf32, #tpu.memory_space<vmem_shared>>
        tpu.wait_dma2 semaphore(%run_scoped3A : memref<!tpu.dma_semaphore, #tpu.memory_space<semaphore_mem>>) src(%dma_wait3A_53 : memref<8x128xf32, #tpu.memory_space<vmem_shared>>) dst(%dma_wait3A_50 : memref<8x128xf32, #tpu.memory_space<hbm>>)
        tpu.yield
      }) : () -> ()
    } else {
    }
    return
  }
}

module attributes {stable_mosaic.version = 14 : i64} {
  func.func @body(%arg0: i32, %arg1: memref<1000x128xf32, #tpu.memory_space<vmem>>, %arg2: memref<128x128xf32, #tpu.memory_space<vmem>>, %arg3: memref<1000x1xf32, #tpu.memory_space<vmem>>, %arg4: memref<1000x1xf32, #tpu.memory_space<vmem>>, %arg5: memref<1000x1xf32, #tpu.memory_space<vmem>>, %arg6: memref<1000x128xf32, #tpu.memory_space<vmem>>) attributes {dimension_semantics = [#tpu.dimension_semantics<arbitrary>], iteration_bounds = array<i64: 10>, scalar_prefetch = 0 : i64, scratch_operands = 0 : i64, tpu.core_type = #tpu.core_type<tc>, window_params = [{transform_indices = @transform_0, window_bounds = array<i64: 1000, 128>}, {pipeline_mode = #tpu.pipeline_mode<synchronous>, transform_indices = @transform_1, window_bounds = array<i64: 128, 128>}, {transform_indices = @transform_2, window_bounds = array<i64: 1000, 1>}, {transform_indices = @transform_3, window_bounds = array<i64: 1000, 1>}, {transform_indices = @transform_4, window_bounds = array<i64: 1000, 1>}, {transform_indices = @transform_5, window_bounds = array<i64: 1000, 128>}]} {
    %get3A = arith.constant 0 : index
    %get3A_0 = arith.constant 0 : index
    %get3A_1 = vector.load %arg3[%get3A, %get3A_0] : memref<1000x1xf32, #tpu.memory_space<vmem>>, vector<1000x1xf32>
    %get3A_2 = arith.constant 0 : index
    %get3A_3 = arith.constant 0 : index
    %get3A_4 = vector.load %arg4[%get3A_2, %get3A_3] : memref<1000x1xf32, #tpu.memory_space<vmem>>, vector<1000x1xf32>
    %add3A = arith.addf %get3A_1, %get3A_4 : vector<1000x1xf32>
    %add3A_5 = arith.constant 1.000000e+00 : f32
    %add3A_6 = vector.broadcast %add3A_5 : f32 to vector<1000x1xf32>
    %add3A_7 = arith.addf %add3A, %add3A_6 : vector<1000x1xf32>
    %sqrt3A = math.sqrt %add3A_7 : vector<1000x1xf32>
    %div3A = arith.constant 1.000000e+00 : f32
    %div3A_8 = vector.broadcast %div3A : f32 to vector<1000x1xf32>
    %div3A_9 = arith.divf %div3A_8, %sqrt3A : vector<1000x1xf32>
    %swap3A = arith.constant 0 : index
    %swap3A_10 = arith.constant 0 : index
    %swap3A_11 = vector.load %arg5[%swap3A, %swap3A_10] : memref<1000x1xf32, #tpu.memory_space<vmem>>, vector<1000x1xf32>
    tpu.vector_store %arg5[%swap3A, %swap3A_10], %div3A_9 {strides = array<i32>} : memref<1000x1xf32, #tpu.memory_space<vmem>>, vector<1000x1xf32>,
    %get3A_12 = arith.constant 0 : index
    %get3A_13 = arith.constant 0 : index
    %get3A_14 = vector.load %arg1[%get3A_12, %get3A_13] : memref<1000x128xf32, #tpu.memory_space<vmem>>, vector<1000x128xf32>
    %get3A_15 = arith.constant 0 : index
    %get3A_16 = arith.constant 0 : index
    %get3A_17 = vector.load %arg2[%get3A_15, %get3A_16] : memref<128x128xf32, #tpu.memory_space<vmem>>, vector<128x128xf32>
    %dot_general3A = arith.constant dense<0.000000e+00> : vector<1000x128xf32>
    %dot_general3A_18 = tpu.matmul %get3A_14, %get3A_17, %dot_general3A {dimension_numbers = #tpu.dot_dimension_numbers<[1], [0], [0], [1], [0, 0, 1, 1], [], []>, transpose_lhs_hint = false} : vector<1000x128xf32>, vector<128x128xf32>, vector<1000x128xf32> -> vector<1000x128xf32>
    %mul3A = vector.broadcast %div3A_9 : vector<1000x1xf32> to vector<1000x128xf32>
    %mul3A_19 = arith.mulf %dot_general3A_18, %mul3A : vector<1000x128xf32>
    %swap3A_20 = arith.constant 0 : index
    %swap3A_21 = arith.constant 0 : index
    %swap3A_22 = vector.load %arg6[%swap3A_20, %swap3A_21] : memref<1000x128xf32, #tpu.memory_space<vmem>>, vector<1000x128xf32>
    tpu.vector_store %arg6[%swap3A_20, %swap3A_21], %mul3A_19 {strides = array<i32>} : memref<1000x128xf32, #tpu.memory_space<vmem>>, vector<1000x128xf32>,
    return
  }
  func.func @transform_0(%arg0: i32) -> (i32, i32) {
    %c0_i32 = arith.constant 0 : i32
    %c0_i32_0 = arith.constant 0 : i32
    return %arg0, %c0_i32 : i32, i32
  }
  func.func @transform_1(%arg0: i32) -> (i32, i32) {
    %c0_i32 = arith.constant 0 : i32
    %c0_i32_0 = arith.constant 0 : i32
    %c0_i32_1 = arith.constant 0 : i32
    return %c0_i32, %c0_i32_0 : i32, i32
  }
  func.func @transform_2(%arg0: i32) -> (i32, i32) {
    %c0_i32 = arith.constant 0 : i32
    %c0_i32_0 = arith.constant 0 : i32
    return %arg0, %c0_i32 : i32, i32
  }
  func.func @transform_3(%arg0: i32) -> (i32, i32) {
    %c0_i32 = arith.constant 0 : i32
    %c0_i32_0 = arith.constant 0 : i32
    return %arg0, %c0_i32 : i32, i32
  }
  func.func @transform_4(%arg0: i32) -> (i32, i32) {
    %c0_i32 = arith.constant 0 : i32
    %c0_i32_0 = arith.constant 0 : i32
    return %arg0, %c0_i32 : i32, i32
  }
  func.func @transform_5(%arg0: i32) -> (i32, i32) {
    %c0_i32 = arith.constant 0 : i32
    %c0_i32_0 = arith.constant 0 : i32
    return %arg0, %c0_i32 : i32, i32
  }
}

module attributes {stable_mosaic.version = 14 : i64} {
  func.func @body(%arg0: i32, %arg1: memref<1000x128xf32, #tpu.memory_space<vmem>>, %arg2: memref<1000x128xf32, #tpu.memory_space<vmem>>, %arg3: memref<1000x1xf32, #tpu.memory_space<vmem>>, %arg4: memref<1x128xf32, #tpu.memory_space<vmem>>, %arg5: memref<128x128xf32, #tpu.memory_space<vmem>>, %arg6: memref<1000x128xf32, #tpu.memory_space<vmem>>) attributes {dimension_semantics = [#tpu.dimension_semantics<arbitrary>], iteration_bounds = array<i64: 10>, scalar_prefetch = 0 : i64, scratch_operands = 0 : i64, tpu.core_type = #tpu.core_type<tc>, window_params = [{transform_indices = @transform_0, window_bounds = array<i64: 1000, 128>}, {transform_indices = @transform_1, window_bounds = array<i64: 1000, 128>}, {transform_indices = @transform_2, window_bounds = array<i64: 1000, 1>}, {pipeline_mode = #tpu.pipeline_mode<synchronous>, transform_indices = @transform_3, window_bounds = array<i64: 1, 128>}, {pipeline_mode = #tpu.pipeline_mode<synchronous>, transform_indices = @transform_4, window_bounds = array<i64: 128, 128>}, {transform_indices = @transform_5, window_bounds = array<i64: 1000, 128>}]} {
    %get3A = arith.constant 0 : index
    %get3A_0 = arith.constant 0 : index
    %get3A_1 = vector.load %arg3[%get3A, %get3A_0] : memref<1000x1xf32, #tpu.memory_space<vmem>>, vector<1000x1xf32>
    %get3A_2 = arith.constant 0 : index
    %get3A_3 = arith.constant 0 : index
    %get3A_4 = vector.load %arg1[%get3A_2, %get3A_3] : memref<1000x128xf32, #tpu.memory_space<vmem>>, vector<1000x128xf32>
    %get3A_5 = arith.constant 0 : index
    %get3A_6 = arith.constant 0 : index
    %get3A_7 = vector.load %arg2[%get3A_5, %get3A_6] : memref<1000x128xf32, #tpu.memory_space<vmem>>, vector<1000x128xf32>
    %add3A = arith.addf %get3A_4, %get3A_7 : vector<1000x128xf32>
    %mul3A = vector.broadcast %get3A_1 : vector<1000x1xf32> to vector<1000x128xf32>
    %mul3A_8 = arith.mulf %mul3A, %add3A : vector<1000x128xf32>
    %get3A_9 = arith.constant 0 : index
    %get3A_10 = arith.constant 0 : index
    %get3A_11 = vector.load %arg4[%get3A_9, %get3A_10] : memref<1x128xf32, #tpu.memory_space<vmem>>, vector<1x128xf32>
    %add3A_12 = vector.broadcast %get3A_11 : vector<1x128xf32> to vector<1000x128xf32>
    %add3A_13 = arith.addf %mul3A_8, %add3A_12 : vector<1000x128xf32>
    %max3A = arith.constant 0.000000e+00 : f32
    %max3A_14 = vector.broadcast %max3A : f32 to vector<1000x128xf32>
    %max3A_15 = arith.maximumf %add3A_13, %max3A_14 : vector<1000x128xf32>
    %get3A_16 = arith.constant 0 : index
    %get3A_17 = arith.constant 0 : index
    %get3A_18 = vector.load %arg5[%get3A_16, %get3A_17] : memref<128x128xf32, #tpu.memory_space<vmem>>, vector<128x128xf32>
    %dot_general3A = arith.constant dense<0.000000e+00> : vector<1000x128xf32>
    %dot_general3A_19 = tpu.matmul %max3A_15, %get3A_18, %dot_general3A {dimension_numbers = #tpu.dot_dimension_numbers<[1], [0], [0], [1], [0, 0, 1, 1], [], []>, transpose_lhs_hint = false} : vector<1000x128xf32>, vector<128x128xf32>, vector<1000x128xf32> -> vector<1000x128xf32>
    %get3A_20 = arith.constant 0 : index
    %get3A_21 = arith.constant 0 : index
    %get3A_22 = vector.load %arg3[%get3A_20, %get3A_21] : memref<1000x1xf32, #tpu.memory_space<vmem>>, vector<1000x1xf32>
    %mul3A_23 = vector.broadcast %get3A_22 : vector<1000x1xf32> to vector<1000x128xf32>
    %mul3A_24 = arith.mulf %dot_general3A_19, %mul3A_23 : vector<1000x128xf32>
    %swap3A = arith.constant 0 : index
    %swap3A_25 = arith.constant 0 : index
    %swap3A_26 = vector.load %arg6[%swap3A, %swap3A_25] : memref<1000x128xf32, #tpu.memory_space<vmem>>, vector<1000x128xf32>
    tpu.vector_store %arg6[%swap3A, %swap3A_25], %mul3A_24 {strides = array<i32>} : memref<1000x128xf32, #tpu.memory_space<vmem>>, vector<1000x128xf32>,
    return
  }
  func.func @transform_0(%arg0: i32) -> (i32, i32) {
    %c0_i32 = arith.constant 0 : i32
    %c0_i32_0 = arith.constant 0 : i32
    return %arg0, %c0_i32 : i32, i32
  }
  func.func @transform_1(%arg0: i32) -> (i32, i32) {
    %c0_i32 = arith.constant 0 : i32
    %c0_i32_0 = arith.constant 0 : i32
    return %arg0, %c0_i32 : i32, i32
  }
  func.func @transform_2(%arg0: i32) -> (i32, i32) {
    %c0_i32 = arith.constant 0 : i32
    %c0_i32_0 = arith.constant 0 : i32
    return %arg0, %c0_i32 : i32, i32
  }
  func.func @transform_3(%arg0: i32) -> (i32, i32) {
    %c0_i32 = arith.constant 0 : i32
    %c0_i32_0 = arith.constant 0 : i32
    %c0_i32_1 = arith.constant 0 : i32
    return %c0_i32, %c0_i32_0 : i32, i32
  }
  func.func @transform_4(%arg0: i32) -> (i32, i32) {
    %c0_i32 = arith.constant 0 : i32
    %c0_i32_0 = arith.constant 0 : i32
    %c0_i32_1 = arith.constant 0 : i32
    return %c0_i32, %c0_i32_0 : i32, i32
  }
  func.func @transform_5(%arg0: i32) -> (i32, i32) {
    %c0_i32 = arith.constant 0 : i32
    %c0_i32_0 = arith.constant 0 : i32
    return %arg0, %c0_i32 : i32, i32
  }
}

module attributes {stable_mosaic.version = 14 : i64} {
  func.func @body(%arg0: i32, %arg1: memref<1000x128xf32, #tpu.memory_space<vmem>>, %arg2: memref<1000x128xf32, #tpu.memory_space<vmem>>, %arg3: memref<1000x1xf32, #tpu.memory_space<vmem>>, %arg4: memref<1x128xf32, #tpu.memory_space<vmem>>, %arg5: memref<1000x128xf32, #tpu.memory_space<vmem>>) attributes {dimension_semantics = [#tpu.dimension_semantics<arbitrary>], iteration_bounds = array<i64: 10>, scalar_prefetch = 0 : i64, scratch_operands = 0 : i64, tpu.core_type = #tpu.core_type<tc>, window_params = [{transform_indices = @transform_0, window_bounds = array<i64: 1000, 128>}, {transform_indices = @transform_1, window_bounds = array<i64: 1000, 128>}, {transform_indices = @transform_2, window_bounds = array<i64: 1000, 1>}, {pipeline_mode = #tpu.pipeline_mode<synchronous>, transform_indices = @transform_3, window_bounds = array<i64: 1, 128>}, {transform_indices = @transform_4, window_bounds = array<i64: 1000, 128>}]} {
    %get3A = arith.constant 0 : index
    %get3A_0 = arith.constant 0 : index
    %get3A_1 = vector.load %arg3[%get3A, %get3A_0] : memref<1000x1xf32, #tpu.memory_space<vmem>>, vector<1000x1xf32>
    %get3A_2 = arith.constant 0 : index
    %get3A_3 = arith.constant 0 : index
    %get3A_4 = vector.load %arg1[%get3A_2, %get3A_3] : memref<1000x128xf32, #tpu.memory_space<vmem>>, vector<1000x128xf32>
    %get3A_5 = arith.constant 0 : index
    %get3A_6 = arith.constant 0 : index
    %get3A_7 = vector.load %arg2[%get3A_5, %get3A_6] : memref<1000x128xf32, #tpu.memory_space<vmem>>, vector<1000x128xf32>
    %add3A = arith.addf %get3A_4, %get3A_7 : vector<1000x128xf32>
    %mul3A = vector.broadcast %get3A_1 : vector<1000x1xf32> to vector<1000x128xf32>
    %mul3A_8 = arith.mulf %mul3A, %add3A : vector<1000x128xf32>
    %get3A_9 = arith.constant 0 : index
    %get3A_10 = arith.constant 0 : index
    %get3A_11 = vector.load %arg4[%get3A_9, %get3A_10] : memref<1x128xf32, #tpu.memory_space<vmem>>, vector<1x128xf32>
    %add3A_12 = vector.broadcast %get3A_11 : vector<1x128xf32> to vector<1000x128xf32>
    %add3A_13 = arith.addf %mul3A_8, %add3A_12 : vector<1000x128xf32>
    %swap3A = arith.constant 0 : index
    %swap3A_14 = arith.constant 0 : index
    %swap3A_15 = vector.load %arg5[%swap3A, %swap3A_14] : memref<1000x128xf32, #tpu.memory_space<vmem>>, vector<1000x128xf32>
    tpu.vector_store %arg5[%swap3A, %swap3A_14], %add3A_13 {strides = array<i32>} : memref<1000x128xf32, #tpu.memory_space<vmem>>, vector<1000x128xf32>,
    return
  }
  func.func @transform_0(%arg0: i32) -> (i32, i32) {
    %c0_i32 = arith.constant 0 : i32
    %c0_i32_0 = arith.constant 0 : i32
    return %arg0, %c0_i32 : i32, i32
  }
  func.func @transform_1(%arg0: i32) -> (i32, i32) {
    %c0_i32 = arith.constant 0 : i32
    %c0_i32_0 = arith.constant 0 : i32
    return %arg0, %c0_i32 : i32, i32
  }
  func.func @transform_2(%arg0: i32) -> (i32, i32) {
    %c0_i32 = arith.constant 0 : i32
    %c0_i32_0 = arith.constant 0 : i32
    return %arg0, %c0_i32 : i32, i32
  }
  func.func @transform_3(%arg0: i32) -> (i32, i32) {
    %c0_i32 = arith.constant 0 : i32
    %c0_i32_0 = arith.constant 0 : i32
    %c0_i32_1 = arith.constant 0 : i32
    return %c0_i32, %c0_i32_0 : i32, i32
  }
  func.func @transform_4(%arg0: i32) -> (i32, i32) {
    %c0_i32 = arith.constant 0 : i32
    %c0_i32_0 = arith.constant 0 : i32
    return %arg0, %c0_i32 : i32, i32
  }
}

</mosaic_0001>

<sc_bundles>
// kernel: kernel.10.cloned.1.call-start
scs
__scs_entry_jumppad:
0x0: {  	(pc) =	sbr.rel $0x88, $3  }
0x1: {  	(tag) =	ssettag $0x0;
	lr =	simm.s32 $0x1  }
0x2: {  	[smem:$0x3F99] =	sst lr;
	_ =	strace $0xD0000000  }
0x3: {  	_ = 	snop  }
0x4: {  	_ = 	snop  }
0x5: {  	_ = 	snop  }
0x6: {  	_ = 	snop  }
0x7: {  	_ = 	snop  }
__scs_overlays_trampoline_lowered:
0x8: {  	[smem:$0x3FA8] =	sst s0  }
0x9: {  	[smem:$0x3FA9] =	sst s1  }
0xa: {  	[smem:$0x3FAA] =	sst s2  }
0xb: {  	[smem:$0x3FAB] =	sst s3  }
0xc: {  	[smem:$0x3FAC] =	sst s4  }
0xd: {  	[smem:$0x3FAD] =	sst s5  }
0xe: {  	[smem:$0x3FAE] =	sst s6  }
0xf: {  	[smem:$0x3FAF] =	sst s7  }
0x10: {  	[smem:$0x3FB0] =	sst s8  }
0x11: {  	[smem:$0x3FB1] =	sst s9;
	s0 =	simm.s32 @!p0 $0x0  }
0x12: {  	s1 =	sld [smem:$0x3F97];
	s0 =	simm.s32 @p0 $0x1  }
0x13: {  	[smem:$0x3FB2] =	sst s0;
	s0 =	simm.s32 @!p1 $0x0  }
0x14: {  	s2 =	sld [smem:$0x3F96];
	s0 =	simm.s32 @p1 $0x1  }
0x15: {  	[smem:$0x3FB3] =	sst s0;
	s0 =	simm.s32 @!p2 $0x0  }
0x16: {  	s3 =	sld [smem:$0x3FDB];
	s0 =	simm.s32 @p2 $0x1  }
0x17: {  	s4 =	simm.s32 $0x1BF5;
	[smem:$0x3FB5] =	sst s0  }
0x18: {  	s0 =	sld [smem:$0x3F98];
	_ =	swait.ge [sflag:s4], $0x0  }
0x19: {  	s7 =	sld [smem:$0x3F99]  }
0x1a: {  	s8 =	sadd.s32 $0xFFFFE003, lr  }
0x1b: {  	s9 =	sadd.s32 $0xFFFFFEF7, lr;
	s5 =	simm.s32 $0xFFFFFFFF;
	p2 =	slt.u32 s8, $0xFFFFF086  }
0x1c: {  	p1 =	slt.u32 s9, $0xF7A;
	s5 =	simm.s32 @!p2 $0x0  }
0x1d: {  	s5 =	simm.s32 @p1 $0x1;
	p0 =	seq.s32 s7, s2  }
0x1e: {  	s7 =	smul.u32 @!p0 $0xF7A, s2;
	p2 =	seq.s32 @!p0 s5, $0x0  }
0x1f: {  	s9 =	smul.u32 $0xF7A, s1;
	s8 =	simm.s32 @!p0 $0x1BF5;
	p2 =	por !p2, p0  }
0x20: {  	[sflag:s8] =	ssyncset.s32 @!p0 $0xFFFFF086;
	s6 =	sadd.s32 @!p0 s3, s7;
	s7 =	simm.s32 @!p0 $0x108  }
0x21: {  	s3 =	sadd.s32 s3, s9;
	s6 =	sadd.s32 @!p0 $0x88, s6;
	s7 =	simm.s32 @p2 $0x1082  }
0x22: {  	[simem:s7], [sflag:s8] =	dma.local @!p0 [hbm:s6], $0xF7A  }
0x23: {  	s9 =	sor.u32 $0xD0000000, s2;
	s6 =	simm.s32 $0x108;
	_ =	swait.ge @!p0 [sflag:s8], $0x0  }
0x24: {  	s3 =	sadd.s32 $0x88, s3;
	s6 =	simm.s32 @!p1 $0x1082;
	[sflag:s4] =	ssyncset.s32 $0xFFFFF086  }
0x25: {  	[simem:s6], [sflag:s4] =	dma.local [hbm:s3], $0xF7A  }
0x26: {  	[smem:$0x3F99] =	sst s1;
	(tag) =	ssettag s2;
	_ =	strace s9  }
0x27: {  	s1 =	sld [smem:$0x3FA9]  }
0x28: {  	s2 =	sld [smem:$0x3FAA]  }
0x29: {  	s4 =	sld [smem:$0x3FAC]  }
0x2a: {  	p0 =	seq.s32 s5, $0x0;
	s5 =	sld [smem:$0x3FAD]  }
0x2b: {  	s6 =	sld [smem:$0x3FAE]  }
0x2c: {  	s7 =	sld [smem:$0x3FAF]  }
0x2d: {  	s3 =	simm.s32 $0x108;
	s8 =	sld [smem:$0x3FB0]  }
0x2e: {  	s3 =	simm.s32 @!p0 $0x1082;
	s9 =	sld [smem:$0x3FB1]  }
0x2f: {  	lr =	sadd.s32 s0, s3;
	s0 =	sld [smem:$0x3FA8]  }
0x30: {  	s3 =	sld [smem:$0x3FAB]  }
0x31: {  	[smem:$0x3FB4] =	sst s10  }
0x32: {  	s10 =	sld [smem:$0x3FB2];
	_ =	sdelay $0x3  }
0x33: {  	p0 =	seq.s32 s10, $0x1;
	s10 =	sld [smem:$0x3FB4];
	_ =	sdelay $0x3  }
0x34: {  	[smem:$0x3FB4] =	sst s10  }
0x35: {  	s10 =	sld [smem:$0x3FB3];
	_ =	sdelay $0x3  }
0x36: {  	p1 =	seq.s32 s10, $0x1;
	s10 =	sld [smem:$0x3FB4];
	_ =	sdelay $0x3  }
0x37: {  	[smem:$0x3FB4] =	sst s10  }
0x38: {  	s10 =	sld [smem:$0x3FB5]  }
0x39: {  	_ = 	snop;
	(pc) =	sbr.ind lr, $3  }
0x3a: {  	_ = 	snop  }
0x3b: {  	_ = 	snop  }
0x3c: {  	p2 =	seq.s32 s10, $0x1;
	s10 =	sld [smem:$0x3FB4]  }
0x3d: {  	_ =	shalt  }
0x3e: {  	_ =	shalt  }
0x3f: {  	_ =	shalt  }
0x40: {  	_ =	shalt  }
0x41: {  	_ =	shalt  }
0x42: {  	_ =	shalt  }
0x43: {  	_ =	shalt  }
0x44: {  	_ =	shalt  }
0x45: {  	_ =	shalt  }
0x46: {  	_ =	shalt  }
0x47: {  	_ =	shalt  }
0x48: {  	_ =	shalt  }
0x49: {  	_ =	shalt  }
0x4a: {  	_ =	shalt  }
0x4b: {  	_ =	shalt  }
0x4c: {  	_ =	shalt  }
0x4d: {  	_ =	shalt  }
0x4e: {  	_ =	shalt  }
0x4f: {  	_ =	shalt  }
0x50: {  	_ =	shalt  }
0x51: {  	_ =	shalt  }
0x52: {  	_ =	shalt  }
0x53: {  	_ =	shalt  }
0x54: {  	_ =	shalt  }
0x55: {  	_ =	shalt  }
0x56: {  	_ =	shalt  }
0x57: {  	_ =	shalt  }
0x58: {  	_ =	shalt  }
0x59: {  	_ =	shalt  }
0x5a: {  	_ =	shalt  }
0x5b: {  	_ =	shalt  }
0x5c: {  	_ =	shalt  }
0x5d: {  	_ =	shalt  }
0x5e: {  	_ =	shalt  }
0x5f: {  	_ =	shalt  }
0x60: {  	_ =	shalt  }
0x61: {  	_ =	shalt  }
0x62: {  	_ =	shalt  }
0x63: {  	_ =	shalt  }
0x64: {  	_ =	shalt  }
0x65: {  	_ =	shalt  }
0x66: {  	_ =	shalt  }
0x67: {  	_ =	shalt  }
0x68: {  	_ =	shalt  }
0x69: {  	_ =	shalt  }
0x6a: {  	_ =	shalt  }
0x6b: {  	_ =	shalt  }
0x6c: {  	_ =	shalt  }
0x6d: {  	_ =	shalt  }
0x6e: {  	_ =	shalt  }
0x6f: {  	_ =	shalt  }
0x70: {  	_ =	shalt  }
0x71: {  	_ =	shalt  }
0x72: {  	_ =	shalt  }
0x73: {  	_ =	shalt  }
0x74: {  	_ =	shalt  }
0x75: {  	_ =	shalt  }
0x76: {  	_ =	shalt  }
0x77: {  	_ =	shalt  }
0x78: {  	_ =	shalt  }
0x79: {  	_ =	shalt  }
0x7a: {  	_ =	shalt  }
0x7b: {  	_ =	shalt  }
0x7c: {  	_ =	shalt  }
0x7d: {  	_ =	shalt  }
0x7e: {  	_ =	shalt  }
0x7f: {  	_ =	shalt  }
0x80: {  	_ =	shalt  }
0x81: {  	_ =	shalt  }
0x82: {  	_ =	shalt  }
0x83: {  	_ =	shalt  }
0x84: {  	_ =	shalt  }
0x85: {  	_ =	shalt  }
0x86: {  	_ =	shalt  }
0x87: {  	_ =	shalt  }
.Lfunc_end0:
.L_simem_size_0:
called_computation_lowered:
.L_overlay_start_0:
0x88: {  	s2 =	sld [smem:$0x3FD9]  }
0x89: {  	s3 =	sld [smem:$0x3FFE];
	_ =	sdelay $0x1  }
0x8a: {  	s1 =	srdreg.scid  }
0x8b: {  	s0 =	sand.u32 $0x1, s1  }
0x8c: {  	s17 =	sshll.u32 s0, $0xA;
	s2 =	sadd.s32 s3, s2  }
0x8d: {  	s2 =	sadd.s32 s2, s17  }
0x8e: {  	[smem:$0x3FC0] =	sst s2  }
0x8f: {  	_ = 	snop  }
0x90: {  	s2 =	sld [smem:$0x3FD0];
	(tm) =	ssettm $0x1  }
0x91: {  	s18 =	sld [smem:$0x3FFB];
	_ =	sdelay $0x3  }
0x92: {  	_ =	strace s18  }
0x93: {  	s3 =	sld [smem:$0x3FFC];
	_ =	sdelay $0x3  }
0x94: {  	_ =	strace s3  }
0x95: {  	s3 =	sld [smem:$0x3FFD];
	_ =	sdelay $0x3  }
0x96: {  	_ =	strace s3  }
0x97: {  	_ =	strace $0x8FFFFFFF  }
0x98: {  	s19 =	sld [smem:$0x3FDB];
	_ =	sdelay $0x1  }
0x99: {  	s4 =	simm.s32 $_scs_section_size  }
0x9a: {  	s5 =	simm.s32 $_size__tile_overlayer_lowered;
	s6 =	simm.s32 $_tile_overlayer_lowered  }
0x9b: {  	s22 =	simm.s32 $0x1BFF;
	s21 =	sshll.u32 s6, $0x1;
	s3 =	sadd.s32 s4, s19  }
0x9c: {  	s7 =	simm.s32 $0x0;
	s20 =	sshll.u32 s5, $0x1;
	s5 =	sadd.s32 s21, s3  }
0x9d: {  	[timem:s7], [sflag:s22] =	dma.local [hbm:s5], s20  }
0x9e: {  	_ =	swait.ge [sflag:s22], s20  }
0x9f: {  	s4 =	ssub.s32 $0x0, s20;
	[sflag:s22] =	ssyncset.done $0x0  }
0xa0: {  	[sflag:s22] =	ssyncadd.s32 s4;
	_ =	sdelay $0x1  }
0xa1: {  	s23 =	simm.s32 $0x1B8B  }
0xa2: {  	_ =	swait.ge [sflag:s23], $0x1  }
0xa3: {  	[sflag:s23] =	ssyncset.done $0x0  }
0xa4: {  	s25 =	simm.s32 $0x1B8E;
	s24 =	sld [smem:$0x3FFE];
	[sflag:s23] =	ssyncadd.s32 $0xFFFFFFFF  }
0xa5: {  	s26 =	simm.s32 $execute0_lowered;
	[smem:$0x3FD2] =	sst s25  }
0xa6: {  	s5 =	sshll.u32 s26, $0x1;
	_ =	strace $0x80000046;
	[dreg:$0x1] =	wrdreg $0xFFFFFFFF  }
0xa7: {  	s28 =	simm.s32 $_size_execute0_lowered;
	s3 =	sadd.s32 s3, s5;
	[dreg:$0x0] =	wrdreg $0x0  }
0xa8: {  	s5 =	sshll.u32 s28, $0x1;
	[dreg:$0x2] =	wrdreg s3  }
0xa9: {  	[dreg:$0x3] =	wrdreg s5  }
0xaa: {  	[dreg:$0x4] =	wrdreg $0xC0  }
0xab: {  	_ =	task [dreg:s7], $0x5FFFF  }
0xac: {  	[dreg:$0x1] =	wrdreg $0xFFFFFFFF  }
0xad: {  	[dreg:$0x0] =	wrdreg $0x60  }
0xae: {  	[dreg:$0x2] =	wrdreg s2  }
0xaf: {  	[dreg:$0x3] =	wrdreg s24  }
0xb0: {  	[dreg:$0x4] =	wrdreg $0x50000  }
0xb1: {  	[dreg:$0x5] =	wrdreg $0x9  }
0xb2: {  	_ =	task.clear_ibuf [dreg:s7], $0x6FFFF;
	_ =	strace $0x90000046  }
0xb3: {  	s29 =	simm.s32 $0x9;
	_ =	strace $0x80000048  }
0xb4: {  	_ =	swait.ge [sflag:s29], $0x1  }
0xb5: {  	[sflag:s29] =	ssyncadd.s32 $0xFFFFFFFF  }
0xb6: {  	_ =	strace $0x90000048  }
0xb7: {  	_ =	sfence  }
0xb8: {  	s30 =	sld [smem:$0x0];
	_ =	sdelay $0x2  }
0xb9: {  	s31 =	sshll.u32 s1, $0xD;
	s1 =	sshrl.u32 s1, $0x2  }
0xba: {  	s3 =	sand.u32 $0x4000, s31;
	s1 =	sadd.s32 s1, s30  }
0xbb: {  	s0 =	sor.u32 s3, s0;
	s1 =	sshll.u32 s1, $0x11  }
0xbc: {  	s0 =	sor.u32 s1, s0  }
0xbd: {  	s0 =	sadd.s32 $0x8F2B, s0  }
0xbe: {  	[sflag:s0] =	ssyncadd.remote.s32 $0x1  }
0xbf: {  	_ =	sfence.sel $0xFFFF  }
0xc0: {  	[dreg:$0x0] =	wrdreg $0xFFFFFFFF;
	(pc) =	sbr.abs _section_cstart, $3  }
0xc1: {  	[dreg:$0x1] =	wrdreg $0xFFFFFFFF  }
0xc2: {  	_ =	task.clear_ibuf [dreg:s7], $0x2FFFF;
	_ =	strace $0x9FFFFFFF  }
0xc3: {  	(tm) =	ssettm $0x7FFFFFFF  }
tec
execute0_lowered:
.L_overlay_start_1:
0x0: {  	(tag) =	ssettag $0x1  }
0x1: {  	s5 =	rddreg [dreg:$0x0]  }
0x2: {  	s4 =	rddreg [dreg:$0x1]  }
0x3: {  	s1 =	rddreg [dreg:$0x2]  }
0x4: {  	s0 =	rddreg [dreg:$0x3];
	s2 =	simm.s32 $0x0;
	s3 =	srdreg.scid  }
0x5: {  	s9 =	stileid.u32;
	s14 =	simm.s32 $0x0;
	[smem:$0x7FF] =	sst s2  }
0x6: {  	s6 =	sand.u32 $0x1, s3;
	s8 =	sshll.u32 s9, $0x1;
	s3 =	sadd.s32 $0x3E00, s4  }
0x7: {  	p0 =	seq.s32 s9, $0x0;
	s4 =	sadd.s32 $0x4400, s4;
	_ =	strace $0x80000047  }
0x8: {  	s7 =	ssub.s32 $0x2, s6;
	s8 =	sor.u32 s6, s8;
	p1 =	seq.s32 s6, $0x1  }
0x9: {  	s31 =	sor.u32 s6, s9;
	s10 =	sshrl.u32 s7, $0x1;
	s8 =	smul.u32 $0x500, s8  }
0xa: {  	p0 =	por !p0, !p1;
	p2 =	sne.s32 s31, $0x0;
	s7 =	ssub.s32 s7, s10  }
0xb: {  	p1 =	por !p0, !p0;
	p0 =	sne.s32 s9, $0x0;
	s11 =	sshll.u32 @!p2 s9, $0x6  }
0xc: {  	s9 =	simm.s32 $0x7D;
	s10 =	simm.s32 $0x2800;
	s12 =	sshrl.u32 @!p2 s1, $0x3  }
0xd: {  	s5 =	sadd.s32 s5, s8;
	s6 =	smax.u32 s7, $0x1;
	s7 =	simm.s32 $0x1  }
0xe: {  	v0 =	vimm.f32 $1.000000000e+00;
	v1 =	vimm.f32 $0.0e+00;
	s8 =	simm.s32 $0x2880;
	s11 =	sor.u32 @!p2 $0x1C01, s11;
	s13 =	sshrl.u32 @p1 s1, $0x3  }
.LBB2_1:
0xf: {  	[tilespmem:s2], [sflag:$0x1] =	stream.linear.gather [hbm4b:s5+s2], $0x2800, $0x38;
	[tilespmem:$0x5278] =	vst v63  }
0x10: {  	_ =	swait.ge [sflag:s7], $0x2800  }
0x11: {  	[sflag:s7] =	ssyncset.done $0x0  }
0x12: {  	[sflag:s7] =	ssyncadd.s32 $0xFFFFD800  }
0x13: {  	[tilespmem:$0x2800] =	vst v0  }
0x14: {  	[tilespmem:$0x2810] =	vst v0  }
0x15: {  	[tilespmem:$0x2820] =	vst v0  }
.Ltmp0:
0x16: {  	[tilespmem:$0x2830] =	vst v0;
	(pc) =	sbr.rel @p0 .LBB2_5-.Ltmp0, $4  }
0x17: {  	[tilespmem:$0x2840] =	vst v0  }
0x18: {  	[tilespmem:$0x2850] =	vst v0  }
0x19: {  	[tilespmem:$0x2860] =	vst v0  }
0x1a: {  	[tilespmem:$0x2870] =	vst v0  }
0x1b: {  	s15 =	simm.s32 $0x40;
	s16 =	simm.s32 $0x0  }
.LBB2_3:
0x1c: {  	p3 =	sne.s32 s15, $0x9C00;
	[tilespmem:s16+$0x2880] =	vst v1;
	s16 =	smov.u32 s15;
	s15 =	sadd.s32 $0x40, s15  }
.Ltmp1:
0x1d: {  	(pc) =	sbr.rel @p3 .LBB2_3-.Ltmp1, $2  }
0x1e: {  	_ =	sdelay $0x2  }
0x1f: {  	s16 =	sshra.s32 s16, $0x2  }
0x20: {  	[tilespmem:s16+$0x2880] =	vst v1  }
0x21: {  	[spmem:s1] =	stream.linear.scatter [tilespmem:s8], [sflag:$0x1], $0x2780, $0x38;
	[tilespmem:$0x5278] =	vst v63  }
0x22: {  	_ =	swait.ge [sflag:s7], $0x2780  }
0x23: {  	[sflag:s7] =	ssyncset.done $0x0  }
0x24: {  	[sflag:s7] =	ssyncadd.s32 $0xFFFFD880  }
.LBB2_5:
0x25: {  	[bflag:$0x0] =	sbarrier.arrive $0xFFFF;
	s15 =	simm.s32 $0x0  }
0x26: {  	[spmem:s1] =	stream.indirect.scatter.add.f32 [tilespmem:s10], [sflag:$0x1], $0x1, s15, s9, $0xb8;
	[tilespmem:$0x5278] =	vst v63  }
0x27: {  	_ =	swait.ge [sflag:s7], $0x7D  }
0x28: {  	s15 =	simm.s32 $0x200;
	[sflag:s7] =	ssyncset.done $0x0  }
.LBB2_6:
0x29: {  	s16 =	sshra.s32 s15, $0x2;
	[sflag:s7] =	ssyncadd.s32 $0xFFFFFF83;
	p3 =	sne.s32 s15, $0x9E00  }
0x2a: {  	[spmem:s1] =	stream.indirect.scatter.add.f32 [tilespmem:s10], [sflag:$0x1], $0x1, s16, s9, $0xb8;
	[tilespmem:$0x5278] =	vst v63  }
.Ltmp2:
0x2b: {  	_ = 	snop;
	(pc) =	sbr.rel @p3 .LBB2_6-.Ltmp2, $4  }
0x2c: {  	_ = 	snop  }
0x2d: {  	s15 =	sadd.s32 $0x200, s15  }
0x2e: {  	_ =	swait.ge [sflag:s7], $0x7D  }
0x2f: {  	[sflag:s7] =	ssyncset.done $0x0  }
0x30: {  	[sflag:s7] =	ssyncadd.s32 $0xFFFFFF83  }
0x31: {  	s15 =	simm.s32 @!p2 $0x1;
	[bflag:$0x0] =	sbarrier.arrive $0xFFFF  }
0x32: {  	[hbm:s3], [sflag:s11] =	dma.local @!p2 [spmem:s12], $0x4F0  }
0x33: {  	_ =	swait.ge @!p2 [sflag:s15], $0x4F0  }
0x34: {  	s14 =	sadd.s32 $0x1, s14;
	[sflag:s15] =	ssyncset.done @!p2 $0x0  }
0x35: {  	p3 =	sne.s32 s14, s6;
	[sflag:s15] =	ssyncadd.s32 @!p2 $0xFFFFFB10;
	s15 =	simm.s32 @p1 $0x1C01  }
0x36: {  	[hbm:s4], [sflag:s15] =	dma.local @p1 [spmem:s13], $0x4F0  }
.Ltmp3:
0x37: {  	_ = 	snop;
	(pc) =	sbr.rel @p3 .LBB2_1-.Ltmp3, $4  }
0x38: {  	s15 =	simm.s32 @p1 $0x1  }
0x39: {  	_ =	swait.ge @p1 [sflag:s15], $0x4F0  }
0x3a: {  	[sflag:s15] =	ssyncset.done @p1 $0x0  }
0x3b: {  	[sflag:s15] =	ssyncadd.s32 @p1 $0xFFFFFB10  }
0x3c: {  	_ =	sfence.sel $0x180000  }
0x3d: {  	[bflag:$0x0] =	sbarrier.arrive $0xFFFF  }
0x3e: {  	_ =	strace $0x90000047  }
0x3f: {  	s0 =	sadd.s32 @!p0 $0x100000, s0;
	[bflag:$0x2] =	sbarrier.arrive $0xFFFF  }
0x40: {  	[sflag:s0] =	ssyncadd.tile.s32 @!p0 $0x1;
	_ =	shalt  }
.Lfunc_end2:
_tile_overlayer_lowered:
.L_overlay_start_2:
0x41: {  	(tag) =	ssettag $0x2  }
0x42: {  	s0 =	rddreg [dreg:$0x0];
	s2 =	stileid.u32  }
0x43: {  	s1 =	rddreg [dreg:$0x1];
	p0 =	sne.s32 s2, $0x0  }
0x44: {  	s3 =	rddreg [dreg:$0x2];
	[bflag:$0x3] =	sbarrier.arrive $0xFFFF;
	s2 =	simm.s32 @!p0 $0x1C01  }
0x45: {  	[timem:s3], [sflag:s2] =	dma.local @!p0 [hbm:s0], s1  }
0x46: {  	s0 =	simm.s32 @!p0 $0x1  }
0x47: {  	_ =	swait.ge @!p0 [sflag:s0], s1  }
0x48: {  	s1 =	ssub.s32 @!p0 $0x0, s1;
	[sflag:s0] =	ssyncset.done @!p0 $0x0  }
0x49: {  	[sflag:s0] =	ssyncadd.s32 @!p0 s1  }
0x4a: {  	[bflag:$0x3] =	sbarrier.arrive $0xFFFF  }
0x4b: {  	_ =	shalt  }

// kernel: kernel.13.cloned.1.call-start
scs
__scs_entry_jumppad:
0x0: {  	(pc) =	sbr.rel $0x88, $3  }
0x1: {  	(tag) =	ssettag $0x0;
	lr =	simm.s32 $0x1  }
0x2: {  	[smem:$0x3F99] =	sst lr;
	_ =	strace $0xD0000000  }
0x3: {  	_ = 	snop  }
0x4: {  	_ = 	snop  }
0x5: {  	_ = 	snop  }
0x6: {  	_ = 	snop  }
0x7: {  	_ = 	snop  }
__scs_overlays_trampoline_lowered:
0x8: {  	[smem:$0x3FA8] =	sst s0  }
0x9: {  	[smem:$0x3FA9] =	sst s1  }
0xa: {  	[smem:$0x3FAA] =	sst s2  }
0xb: {  	[smem:$0x3FAB] =	sst s3  }
0xc: {  	[smem:$0x3FAC] =	sst s4  }
0xd: {  	[smem:$0x3FAD] =	sst s5  }
0xe: {  	[smem:$0x3FAE] =	sst s6  }
0xf: {  	[smem:$0x3FAF] =	sst s7  }
0x10: {  	[smem:$0x3FB0] =	sst s8  }
0x11: {  	[smem:$0x3FB1] =	sst s9;
	s0 =	simm.s32 @!p0 $0x0  }
0x12: {  	s1 =	sld [smem:$0x3F97];
	s0 =	simm.s32 @p0 $0x1  }
0x13: {  	[smem:$0x3FB2] =	sst s0;
	s0 =	simm.s32 @!p1 $0x0  }
0x14: {  	s2 =	sld [smem:$0x3F96];
	s0 =	simm.s32 @p1 $0x1  }
0x15: {  	[smem:$0x3FB3] =	sst s0;
	s0 =	simm.s32 @!p2 $0x0  }
0x16: {  	s3 =	sld [smem:$0x3FDB];
	s0 =	simm.s32 @p2 $0x1  }
0x17: {  	s4 =	simm.s32 $0x1BF5;
	[smem:$0x3FB5] =	sst s0  }
0x18: {  	s0 =	sld [smem:$0x3F98];
	_ =	swait.ge [sflag:s4], $0x0  }
0x19: {  	s7 =	sld [smem:$0x3F99]  }
0x1a: {  	s8 =	sadd.s32 $0xFFFFE003, lr  }
0x1b: {  	s9 =	sadd.s32 $0xFFFFFEF7, lr;
	s5 =	simm.s32 $0xFFFFFFFF;
	p2 =	slt.u32 s8, $0xFFFFF086  }
0x1c: {  	p1 =	slt.u32 s9, $0xF7A;
	s5 =	simm.s32 @!p2 $0x0  }
0x1d: {  	s5 =	simm.s32 @p1 $0x1;
	p0 =	seq.s32 s7, s2  }
0x1e: {  	s7 =	smul.u32 @!p0 $0xF7A, s2;
	p2 =	seq.s32 @!p0 s5, $0x0  }
0x1f: {  	s9 =	smul.u32 $0xF7A, s1;
	s8 =	simm.s32 @!p0 $0x1BF5;
	p2 =	por !p2, p0  }
0x20: {  	[sflag:s8] =	ssyncset.s32 @!p0 $0xFFFFF086;
	s6 =	sadd.s32 @!p0 s3, s7;
	s7 =	simm.s32 @!p0 $0x108  }
0x21: {  	s3 =	sadd.s32 s3, s9;
	s6 =	sadd.s32 @!p0 $0x88, s6;
	s7 =	simm.s32 @p2 $0x1082  }
0x22: {  	[simem:s7], [sflag:s8] =	dma.local @!p0 [hbm:s6], $0xF7A  }
0x23: {  	s9 =	sor.u32 $0xD0000000, s2;
	s6 =	simm.s32 $0x108;
	_ =	swait.ge @!p0 [sflag:s8], $0x0  }
0x24: {  	s3 =	sadd.s32 $0x88, s3;
	s6 =	simm.s32 @!p1 $0x1082;
	[sflag:s4] =	ssyncset.s32 $0xFFFFF086  }
0x25: {  	[simem:s6], [sflag:s4] =	dma.local [hbm:s3], $0xF7A  }
0x26: {  	[smem:$0x3F99] =	sst s1;
	(tag) =	ssettag s2;
	_ =	strace s9  }
0x27: {  	s1 =	sld [smem:$0x3FA9]  }
0x28: {  	s2 =	sld [smem:$0x3FAA]  }
0x29: {  	s4 =	sld [smem:$0x3FAC]  }
0x2a: {  	p0 =	seq.s32 s5, $0x0;
	s5 =	sld [smem:$0x3FAD]  }
0x2b: {  	s6 =	sld [smem:$0x3FAE]  }
0x2c: {  	s7 =	sld [smem:$0x3FAF]  }
0x2d: {  	s3 =	simm.s32 $0x108;
	s8 =	sld [smem:$0x3FB0]  }
0x2e: {  	s3 =	simm.s32 @!p0 $0x1082;
	s9 =	sld [smem:$0x3FB1]  }
0x2f: {  	lr =	sadd.s32 s0, s3;
	s0 =	sld [smem:$0x3FA8]  }
0x30: {  	s3 =	sld [smem:$0x3FAB]  }
0x31: {  	[smem:$0x3FB4] =	sst s10  }
0x32: {  	s10 =	sld [smem:$0x3FB2];
	_ =	sdelay $0x3  }
0x33: {  	p0 =	seq.s32 s10, $0x1;
	s10 =	sld [smem:$0x3FB4];
	_ =	sdelay $0x3  }
0x34: {  	[smem:$0x3FB4] =	sst s10  }
0x35: {  	s10 =	sld [smem:$0x3FB3];
	_ =	sdelay $0x3  }
0x36: {  	p1 =	seq.s32 s10, $0x1;
	s10 =	sld [smem:$0x3FB4];
	_ =	sdelay $0x3  }
0x37: {  	[smem:$0x3FB4] =	sst s10  }
0x38: {  	s10 =	sld [smem:$0x3FB5]  }
0x39: {  	_ = 	snop;
	(pc) =	sbr.ind lr, $3  }
0x3a: {  	_ = 	snop  }
0x3b: {  	_ = 	snop  }
0x3c: {  	p2 =	seq.s32 s10, $0x1;
	s10 =	sld [smem:$0x3FB4]  }
0x3d: {  	_ =	shalt  }
0x3e: {  	_ =	shalt  }
0x3f: {  	_ =	shalt  }
0x40: {  	_ =	shalt  }
0x41: {  	_ =	shalt  }
0x42: {  	_ =	shalt  }
0x43: {  	_ =	shalt  }
0x44: {  	_ =	shalt  }
0x45: {  	_ =	shalt  }
0x46: {  	_ =	shalt  }
0x47: {  	_ =	shalt  }
0x48: {  	_ =	shalt  }
0x49: {  	_ =	shalt  }
0x4a: {  	_ =	shalt  }
0x4b: {  	_ =	shalt  }
0x4c: {  	_ =	shalt  }
0x4d: {  	_ =	shalt  }
0x4e: {  	_ =	shalt  }
0x4f: {  	_ =	shalt  }
0x50: {  	_ =	shalt  }
0x51: {  	_ =	shalt  }
0x52: {  	_ =	shalt  }
0x53: {  	_ =	shalt  }
0x54: {  	_ =	shalt  }
0x55: {  	_ =	shalt  }
0x56: {  	_ =	shalt  }
0x57: {  	_ =	shalt  }
0x58: {  	_ =	shalt  }
0x59: {  	_ =	shalt  }
0x5a: {  	_ =	shalt  }
0x5b: {  	_ =	shalt  }
0x5c: {  	_ =	shalt  }
0x5d: {  	_ =	shalt  }
0x5e: {  	_ =	shalt  }
0x5f: {  	_ =	shalt  }
0x60: {  	_ =	shalt  }
0x61: {  	_ =	shalt  }
0x62: {  	_ =	shalt  }
0x63: {  	_ =	shalt  }
0x64: {  	_ =	shalt  }
0x65: {  	_ =	shalt  }
0x66: {  	_ =	shalt  }
0x67: {  	_ =	shalt  }
0x68: {  	_ =	shalt  }
0x69: {  	_ =	shalt  }
0x6a: {  	_ =	shalt  }
0x6b: {  	_ =	shalt  }
0x6c: {  	_ =	shalt  }
0x6d: {  	_ =	shalt  }
0x6e: {  	_ =	shalt  }
0x6f: {  	_ =	shalt  }
0x70: {  	_ =	shalt  }
0x71: {  	_ =	shalt  }
0x72: {  	_ =	shalt  }
0x73: {  	_ =	shalt  }
0x74: {  	_ =	shalt  }
0x75: {  	_ =	shalt  }
0x76: {  	_ =	shalt  }
0x77: {  	_ =	shalt  }
0x78: {  	_ =	shalt  }
0x79: {  	_ =	shalt  }
0x7a: {  	_ =	shalt  }
0x7b: {  	_ =	shalt  }
0x7c: {  	_ =	shalt  }
0x7d: {  	_ =	shalt  }
0x7e: {  	_ =	shalt  }
0x7f: {  	_ =	shalt  }
0x80: {  	_ =	shalt  }
0x81: {  	_ =	shalt  }
0x82: {  	_ =	shalt  }
0x83: {  	_ =	shalt  }
0x84: {  	_ =	shalt  }
0x85: {  	_ =	shalt  }
0x86: {  	_ =	shalt  }
0x87: {  	_ =	shalt  }
.Lfunc_end0:
.L_simem_size_0:
called_computation.1_lowered:
.L_overlay_start_0:
0x88: {  	s2 =	sld [smem:$0x3FD9]  }
0x89: {  	s3 =	sld [smem:$0x3FFE];
	_ =	sdelay $0x1  }
0x8a: {  	s1 =	srdreg.scid  }
0x8b: {  	s0 =	sand.u32 $0x1, s1  }
0x8c: {  	s17 =	sshll.u32 s0, $0xA;
	s2 =	sadd.s32 s3, s2  }
0x8d: {  	s2 =	sadd.s32 s2, s17  }
0x8e: {  	[smem:$0x3FC0] =	sst s2  }
0x8f: {  	_ = 	snop  }
0x90: {  	s2 =	sld [smem:$0x3FD0];
	(tm) =	ssettm $0x1  }
0x91: {  	s18 =	sld [smem:$0x3FFB];
	_ =	sdelay $0x3  }
0x92: {  	_ =	strace s18  }
0x93: {  	s3 =	sld [smem:$0x3FFC];
	_ =	sdelay $0x3  }
0x94: {  	_ =	strace s3  }
0x95: {  	s3 =	sld [smem:$0x3FFD];
	_ =	sdelay $0x3  }
0x96: {  	_ =	strace s3  }
0x97: {  	_ =	strace $0x8FFFFFFF  }
0x98: {  	s19 =	sld [smem:$0x3FDB];
	_ =	sdelay $0x1  }
0x99: {  	s4 =	simm.s32 $_scs_section_size  }
0x9a: {  	s5 =	simm.s32 $_size__tile_overlayer_lowered;
	s6 =	simm.s32 $_tile_overlayer_lowered  }
0x9b: {  	s22 =	simm.s32 $0x1BFF;
	s21 =	sshll.u32 s6, $0x1;
	s3 =	sadd.s32 s4, s19  }
0x9c: {  	s7 =	simm.s32 $0x0;
	s20 =	sshll.u32 s5, $0x1;
	s5 =	sadd.s32 s21, s3  }
0x9d: {  	[timem:s7], [sflag:s22] =	dma.local [hbm:s5], s20  }
0x9e: {  	_ =	swait.ge [sflag:s22], s20  }
0x9f: {  	s4 =	ssub.s32 $0x0, s20;
	[sflag:s22] =	ssyncset.done $0x0  }
0xa0: {  	[sflag:s22] =	ssyncadd.s32 s4;
	_ =	sdelay $0x1  }
0xa1: {  	s23 =	simm.s32 $0x1B8B  }
0xa2: {  	_ =	swait.ge [sflag:s23], $0x1  }
0xa3: {  	[sflag:s23] =	ssyncset.done $0x0  }
0xa4: {  	s25 =	simm.s32 $0x1B8E;
	s24 =	sld [smem:$0x3FFE];
	[sflag:s23] =	ssyncadd.s32 $0xFFFFFFFF  }
0xa5: {  	s26 =	simm.s32 $execute0_lowered;
	[smem:$0x3FD2] =	sst s25  }
0xa6: {  	s5 =	sshll.u32 s26, $0x1;
	_ =	strace $0x80000049;
	[dreg:$0x1] =	wrdreg $0xFFFFFFFF  }
0xa7: {  	s28 =	simm.s32 $_size_execute0_lowered;
	s3 =	sadd.s32 s3, s5;
	[dreg:$0x0] =	wrdreg $0x0  }
0xa8: {  	s5 =	sshll.u32 s28, $0x1;
	[dreg:$0x2] =	wrdreg s3  }
0xa9: {  	[dreg:$0x3] =	wrdreg s5  }
0xaa: {  	[dreg:$0x4] =	wrdreg $0xC0  }
0xab: {  	_ =	task [dreg:s7], $0x5FFFF  }
0xac: {  	[dreg:$0x1] =	wrdreg $0xFFFFFFFF  }
0xad: {  	[dreg:$0x0] =	wrdreg $0x60  }
0xae: {  	[dreg:$0x2] =	wrdreg s2  }
0xaf: {  	[dreg:$0x3] =	wrdreg s24  }
0xb0: {  	[dreg:$0x4] =	wrdreg $0x154000  }
0xb1: {  	[dreg:$0x5] =	wrdreg $0x9  }
0xb2: {  	_ =	task.clear_ibuf [dreg:s7], $0x6FFFF;
	_ =	strace $0x90000049  }
0xb3: {  	s29 =	simm.s32 $0x9;
	_ =	strace $0x8000004B  }
0xb4: {  	_ =	swait.ge [sflag:s29], $0x1  }
0xb5: {  	[sflag:s29] =	ssyncadd.s32 $0xFFFFFFFF  }
0xb6: {  	_ =	strace $0x9000004B  }
0xb7: {  	_ =	sfence  }
0xb8: {  	s30 =	sld [smem:$0x0];
	_ =	sdelay $0x2  }
0xb9: {  	s31 =	sshll.u32 s1, $0xD;
	s1 =	sshrl.u32 s1, $0x2  }
0xba: {  	s3 =	sand.u32 $0x4000, s31;
	s1 =	sadd.s32 s1, s30  }
0xbb: {  	s0 =	sor.u32 s3, s0;
	s1 =	sshll.u32 s1, $0x11  }
0xbc: {  	s0 =	sor.u32 s1, s0  }
0xbd: {  	s0 =	sadd.s32 $0x8F2B, s0  }
0xbe: {  	[sflag:s0] =	ssyncadd.remote.s32 $0x1  }
0xbf: {  	_ =	sfence.sel $0xFFFF  }
0xc0: {  	[dreg:$0x0] =	wrdreg $0xFFFFFFFF;
	(pc) =	sbr.abs _section_cstart, $3  }
0xc1: {  	[dreg:$0x1] =	wrdreg $0xFFFFFFFF  }
0xc2: {  	_ =	task.clear_ibuf [dreg:s7], $0x2FFFF;
	_ =	strace $0x9FFFFFFF  }
0xc3: {  	(tm) =	ssettm $0x7FFFFFFF  }
tec
execute0_lowered:
.L_overlay_start_1:
0x0: {  	(tag) =	ssettag $0x1  }
0x1: {  	s1 =	rddreg [dreg:$0x0]  }
0x2: {  	s5 =	rddreg [dreg:$0x1];
	s0 =	stileid.u32  }
0x3: {  	s2 =	srdreg.scid;
	s3 =	rddreg [dreg:$0x2];
	s4 =	simm.s32 $0x0  }
0x4: {  	s15 =	simm.s32 $0x5000;
	s16 =	simm.s32 $0x12000;
	s17 =	simm.s32 $0x7D  }
0x5: {  	s18 =	simm.s32 $0xA000;
	s19 =	simm.s32 $0x80;
	s20 =	simm.s32 $0xE000  }
0x6: {  	s21 =	simm.s32 $0x1;
	s22 =	simm.s32 $0x2;
	s6 =	smul.u32 $0x5000, s0  }
0x7: {  	s23 =	simm.s32 $0x9F00;
	s24 =	simm.s32 $0x9F80;
	s10 =	smul.u32 $0x27000, s0  }
0x8: {  	s7 =	sand.u32 $0x1, s2;
	s2 =	rddreg [dreg:$0x3];
	s30 =	smul.u32 $0x1380, s0  }
0x9: {  	s25 =	simm.s32 $0x0;
	[smem:$0x7FF] =	sst s4;
	s8 =	smul.u32 $0x50000, s7  }
0xa: {  	s13 =	sadd.s32 $0x22A00, s5;
	p0 =	sne.s32 s0, $0xF;
	s12 =	smul.u32 $0x13880, s7  }
0xb: {  	_ =	strace $0x8000004A;
	s28 =	ssub.s32 $0x2, s7;
	s29 =	smul.u32 $0x9C400, s7  }
0xc: {  	s7 =	sadd.s32 $0x9C000, s3;
	s9 =	sshrl.u32 s6, $0x3;
	s11 =	sshrl.u32 s28, $0x1  }
0xd: {  	s10 =	sshrl.u32 s10, $0x2;
	s9 =	sadd.s32 s9, s5;
	s6 =	sadd.s32 s6, s8  }
0xe: {  	s11 =	ssub.s32 s28, s11;
	s14 =	sshrl.u32 s29, $0x3;
	s8 =	sadd.s32 s10, s3  }
0xf: {  	s6 =	sshrl.u32 s6, $0x3;
	s31 =	sadd.s32 s13, s14;
	s11 =	smax.u32 s11, $0x1  }
0x10: {  	s14 =	simm.s32 $0x3;
	s6 =	sadd.s32 s6, s5;
	s5 =	sadd.s32 $0x4A00, s9  }
0x11: {  	s9 =	sadd.s32 s30, s12;
	s10 =	sadd.s32 $0x13800, s31;
	s12 =	sadd.s32 $0x3400, s8  }
0x12: {  	v0 =	vimm.f32 $0.0e+00;
	s6 =	sadd.s32 $0xEA00, s6;
	s9 =	sadd.s32 s13, s9;
	s13 =	sadd.s32 $0x6800, s8  }
.LBB2_1:
0x13: {  	[tilespmem:s4], [sflag:$0x3] =	stream.linear.gather [hbm4b:s5+s4], $0x5000, $0x38;
	[tilespmem:$0x1F0C0] =	vst v63  }
0x14: {  	_ =	swait.ge [sflag:s14], $0x5000  }
0x15: {  	[sflag:s14] =	ssyncset.done $0x0  }
0x16: {  	[sflag:s14] =	ssyncadd.s32 $0xFFFFB000  }
0x17: {  	[tilespmem:s15], [sflag:$0x3] =	stream.linear.gather [hbm4b:s6+s4], $0x5000, $0x38;
	[tilespmem:$0x1F0C0] =	vst v63  }
0x18: {  	_ =	swait.ge [sflag:s14], $0x5000  }
0x19: {  	[sflag:s14] =	ssyncset.done $0x0  }
0x1a: {  	s26 =	simm.s32 $0x70;
	s28 =	simm.s32 $0x3C0;
	[sflag:s14] =	ssyncadd.s32 $0xFFFFB000  }
.LBB2_2:
0x1b: {  	p1 =	sne.s32 s28, $0xCFC0;
	[tilespmem:s26+$0x12000] =	vst v0  }
0x1c: {  	[tilespmem:s26+$0x11F90] =	vst v0  }
0x1d: {  	[tilespmem:s26+$0x11FA0] =	vst v0  }
.Ltmp0:
0x1e: {  	[tilespmem:s26+$0x11FB0] =	vst v0;
	(pc) =	sbr.rel @p1 .LBB2_2-.Ltmp0, $4  }
0x1f: {  	[tilespmem:s26+$0x11FC0] =	vst v0  }
0x20: {  	[tilespmem:s26+$0x11FD0] =	vst v0  }
0x21: {  	[tilespmem:s26+$0x11FE0] =	vst v0  }
0x22: {  	[tilespmem:s26+$0x11FF0] =	vst v0;
	s26 =	sshra.s32 s28, $0x2;
	s28 =	sadd.s32 $0x200, s28  }
0x23: {  	[tilespmem:s26+$0x12000] =	vst v0  }
0x24: {  	[tilespmem:s26+$0x11F90] =	vst v0  }
0x25: {  	[tilespmem:s26+$0x11FA0] =	vst v0  }
0x26: {  	[tilespmem:s26+$0x11FB0] =	vst v0  }
0x27: {  	[tilespmem:s26+$0x11FC0] =	vst v0  }
0x28: {  	[tilespmem:s26+$0x11FD0] =	vst v0  }
0x29: {  	[tilespmem:s26+$0x11FE0] =	vst v0  }
0x2a: {  	[tilespmem:s26+$0x11FF0] =	vst v0  }
0x2b: {  	[spmem:s8] =	stream.linear.scatter [tilespmem:s16], [sflag:$0x3], $0x3400, $0x38;
	[tilespmem:$0x1F0C0] =	vst v63  }
0x2c: {  	_ =	swait.ge [sflag:s14], $0x3400  }
0x2d: {  	[sflag:s14] =	ssyncset.done $0x0  }
0x2e: {  	[sflag:s14] =	ssyncadd.s32 $0xFFFFCC00  }
0x2f: {  	[spmem:s12] =	stream.linear.scatter [tilespmem:s16], [sflag:$0x3], $0x3400, $0x38;
	[tilespmem:$0x1F0C0] =	vst v63  }
0x30: {  	_ =	swait.ge [sflag:s14], $0x3400  }
0x31: {  	[sflag:s14] =	ssyncset.done $0x0  }
0x32: {  	[sflag:s14] =	ssyncadd.s32 $0xFFFFCC00  }
0x33: {  	[spmem:s13] =	stream.linear.scatter [tilespmem:s16], [sflag:$0x3], $0x3400, $0x38;
	[tilespmem:$0x1F0C0] =	vst v63  }
0x34: {  	_ =	swait.ge [sflag:s14], $0x3400  }
0x35: {  	[sflag:s14] =	ssyncset.done $0x0  }
0x36: {  	s26 =	simm.s32 @!p0 $0x12000;
	[sflag:s14] =	ssyncadd.s32 $0xFFFFCC00  }
0x37: {  	[spmem:s7] =	stream.linear.scatter @!p0 [tilespmem:s26], [sflag:$0x3], $0xC00, $0x38;
	[tilespmem:$0x1F0C0] =	vst v63  }
0x38: {  	s26 =	simm.s32 @!p0 $0x3  }
0x39: {  	_ =	swait.ge @!p0 [sflag:s26], $0xC00  }
0x3a: {  	[sflag:s26] =	ssyncset.done @!p0 $0x0  }
0x3b: {  	[sflag:s26] =	ssyncadd.s32 @!p0 $0xFFFFF400  }
0x3c: {  	s31 =	simm.s32 $0x0;
	[bflag:$0x0] =	sbarrier.arrive $0xFFFF  }
0x3d: {  	[tilespmem:s18], [sflag:$0x1] =	stream.indirect.gather [hbm4b:s1+s17], $0x80, s31, s17, $0xb8;
	[tilespmem:$0x1F0C0] =	vst v63  }
0x3e: {  	_ = 	snop  }
0x3f: {  	[tilespmem:s20], [sflag:$0x2] =	stream.indirect.gather [hbm4b:s1+s17], $0x80, s19, s17, $0xb8;
	[tilespmem:$0x1F0C0] =	vst v63  }
0x40: {  	_ =	swait.ge [sflag:s21], $0x3E80  }
0x41: {  	[sflag:s21] =	ssyncset.done $0x0  }
0x42: {  	s29 =	simm.s32 $0x5000;
	[sflag:s21] =	ssyncadd.s32 $0xFFFFC180  }
0x43: {  	[spmem:s3] =	stream.indirect.scatter.add.f32 [tilespmem:s18], [sflag:$0x3], $0x80, s29, s17, $0xb8;
	[tilespmem:$0x1F0C0] =	vst v63  }
0x44: {  	_ =	swait.ge [sflag:s14], $0x3E80  }
0x45: {  	[sflag:s14] =	ssyncset.done $0x0  }
0x46: {  	s30 =	simm.s32 $0x100;
	[sflag:s14] =	ssyncadd.s32 $0xFFFFC180  }
0x47: {  	[tilespmem:s18], [sflag:$0x1] =	stream.indirect.gather [hbm4b:s1+s17], $0x80, s30, s17, $0xb8;
	[tilespmem:$0x1F0C0] =	vst v63  }
0x48: {  	_ =	swait.ge [sflag:s22], $0x3E80  }
0x49: {  	[sflag:s22] =	ssyncset.done $0x0  }
0x4a: {  	s31 =	simm.s32 $0x5080;
	[sflag:s22] =	ssyncadd.s32 $0xFFFFC180  }
0x4b: {  	[spmem:s3] =	stream.indirect.scatter.add.f32 [tilespmem:s20], [sflag:$0x3], $0x80, s31, s17, $0xb8;
	[tilespmem:$0x1F0C0] =	vst v63  }
0x4c: {  	_ =	swait.ge [sflag:s14], $0x3E80  }
0x4d: {  	[sflag:s14] =	ssyncset.done $0x0  }
0x4e: {  	s28 =	simm.s32 $0x180;
	s26 =	simm.s32 $0x400;
	[sflag:s14] =	ssyncadd.s32 $0xFFFFC180  }
.LBB2_4:
0x4f: {  	[tilespmem:s20], [sflag:$0x2] =	stream.indirect.gather [hbm4b:s1+s17], $0x80, s28, s17, $0xb8;
	[tilespmem:$0x1F0C0] =	vst v63  }
0x50: {  	s28 =	smov.u32 s26  }
0x51: {  	p1 =	sne.s32 s26, $0x13800;
	s26 =	sadd.s32 $0x400, s26;
	_ =	swait.ge [sflag:s21], $0x3E80  }
0x52: {  	s28 =	sshra.s32 s28, $0x2;
	[sflag:s21] =	ssyncset.done $0x0  }
0x53: {  	s29 =	sadd.s32 $0x5000, s28;
	[sflag:s21] =	ssyncadd.s32 $0xFFFFC180  }
0x54: {  	[spmem:s3] =	stream.indirect.scatter.add.f32 [tilespmem:s18], [sflag:$0x3], $0x80, s29, s17, $0xb8;
	[tilespmem:$0x1F0C0] =	vst v63  }
0x55: {  	_ =	swait.ge [sflag:s14], $0x3E80  }
0x56: {  	[sflag:s14] =	ssyncset.done $0x0  }
0x57: {  	s29 =	sadd.s32 $0x100, s28;
	[sflag:s14] =	ssyncadd.s32 $0xFFFFC180  }
0x58: {  	[tilespmem:s18], [sflag:$0x1] =	stream.indirect.gather [hbm4b:s1+s17], $0x80, s29, s17, $0xb8;
	[tilespmem:$0x1F0C0] =	vst v63  }
0x59: {  	_ =	swait.ge [sflag:s22], $0x3E80  }
0x5a: {  	[sflag:s22] =	ssyncset.done $0x0  }
.Ltmp1:
0x5b: {  	s29 =	sadd.s32 $0x5080, s28;
	[sflag:s22] =	ssyncadd.s32 $0xFFFFC180;
	(pc) =	sbr.rel @p1 .LBB2_4-.Ltmp1, $4  }
0x5c: {  	[spmem:s3] =	stream.indirect.scatter.add.f32 [tilespmem:s20], [sflag:$0x3], $0x80, s29, s17, $0xb8;
	[tilespmem:$0x1F0C0] =	vst v63  }
0x5d: {  	_ =	swait.ge [sflag:s14], $0x3E80  }
0x5e: {  	[sflag:s14] =	ssyncset.done $0x0  }
0x5f: {  	s28 =	sadd.s32 $0x180, s28;
	[sflag:s14] =	ssyncadd.s32 $0xFFFFC180  }
0x60: {  	[tilespmem:s20], [sflag:$0x2] =	stream.indirect.gather [hbm4b:s1+s17], $0x80, s28, s17, $0xb8;
	[tilespmem:$0x1F0C0] =	vst v63  }
0x61: {  	_ =	swait.ge [sflag:s21], $0x3E80  }
0x62: {  	[sflag:s21] =	ssyncset.done $0x0  }
0x63: {  	[sflag:s21] =	ssyncadd.s32 $0xFFFFC180  }
0x64: {  	[spmem:s3] =	stream.indirect.scatter.add.f32 [tilespmem:s18], [sflag:$0x3], $0x80, s23, s17, $0xb8;
	[tilespmem:$0x1F0C0] =	vst v63  }
0x65: {  	_ =	swait.ge [sflag:s14], $0x3E80  }
0x66: {  	[sflag:s14] =	ssyncset.done $0x0  }
0x67: {  	[sflag:s14] =	ssyncadd.s32 $0xFFFFC180  }
0x68: {  	_ =	swait.ge [sflag:s22], $0x3E80  }
0x69: {  	[sflag:s22] =	ssyncset.done $0x0  }
0x6a: {  	[sflag:s22] =	ssyncadd.s32 $0xFFFFC180  }
0x6b: {  	[spmem:s3] =	stream.indirect.scatter.add.f32 [tilespmem:s20], [sflag:$0x3], $0x80, s24, s17, $0xb8;
	[tilespmem:$0x1F0C0] =	vst v63  }
0x6c: {  	_ =	swait.ge [sflag:s14], $0x3E80  }
0x6d: {  	[sflag:s14] =	ssyncset.done $0x0  }
0x6e: {  	s26 =	sshll.u32 s0, $0x6;
	[sflag:s14] =	ssyncadd.s32 $0xFFFFC180  }
0x6f: {  	s31 =	sshrl.u32 s8, $0x3;
	s26 =	sor.u32 $0x1C03, s26;
	[bflag:$0x0] =	sbarrier.arrive $0xFFFF  }
0x70: {  	[hbm:s9], [sflag:s26] =	dma.local [spmem:s31], $0x1380  }
0x71: {  	_ =	swait.ge [sflag:s14], $0x1380  }
0x72: {  	s25 =	sadd.s32 $0x1, s25;
	[sflag:s14] =	ssyncset.done $0x0  }
0x73: {  	s28 =	sshrl.u32 @!p0 s7, $0x3;
	p1 =	sne.s32 s25, s11;
	[sflag:s14] =	ssyncadd.s32 $0xFFFFEC80  }
0x74: {  	[hbm:s10], [sflag:s26] =	dma.local @!p0 [spmem:s28], $0x80  }
.Ltmp2:
0x75: {  	_ = 	snop;
	(pc) =	sbr.rel @p1 .LBB2_1-.Ltmp2, $4  }
0x76: {  	s26 =	simm.s32 @!p0 $0x3  }
0x77: {  	_ =	swait.ge @!p0 [sflag:s26], $0x80  }
0x78: {  	[sflag:s26] =	ssyncset.done @!p0 $0x0  }
0x79: {  	[sflag:s26] =	ssyncadd.s32 @!p0 $0xFFFFFF80  }
0x7a: {  	_ =	sfence.sel $0x180000  }
0x7b: {  	[bflag:$0x0] =	sbarrier.arrive $0xFFFF  }
0x7c: {  	p0 =	sne.s32 s0, $0x0;
	_ =	strace $0x9000004A  }
0x7d: {  	s0 =	sadd.s32 @!p0 $0x100000, s2;
	[bflag:$0x2] =	sbarrier.arrive $0xFFFF  }
0x7e: {  	[sflag:s0] =	ssyncadd.tile.s32 @!p0 $0x1;
	_ =	shalt  }
.Lfunc_end2:
_tile_overlayer_lowered:
.L_overlay_start_2:
0x7f: {  	(tag) =	ssettag $0x2  }
0x80: {  	s0 =	rddreg [dreg:$0x0];
	s2 =	stileid.u32  }
0x81: {  	s1 =	rddreg [dreg:$0x1];
	p0 =	sne.s32 s2, $0x0  }
0x82: {  	s3 =	rddreg [dreg:$0x2];
	[bflag:$0x3] =	sbarrier.arrive $0xFFFF;
	s2 =	simm.s32 @!p0 $0x1C03  }
0x83: {  	[timem:s3], [sflag:s2] =	dma.local @!p0 [hbm:s0], s1  }
0x84: {  	s0 =	simm.s32 @!p0 $0x3  }
0x85: {  	_ =	swait.ge @!p0 [sflag:s0], s1  }
0x86: {  	s1 =	ssub.s32 @!p0 $0x0, s1;
	[sflag:s0] =	ssyncset.done @!p0 $0x0  }
0x87: {  	[sflag:s0] =	ssyncadd.s32 @!p0 s1  }
0x88: {  	[bflag:$0x3] =	sbarrier.arrive $0xFFFF  }
0x89: {  	_ =	shalt  }

// kernel: kernel.16.cloned.1.call-start
scs
__scs_entry_jumppad:
0x0: {  	(pc) =	sbr.rel $0x88, $3  }
0x1: {  	(tag) =	ssettag $0x0;
	lr =	simm.s32 $0x1  }
0x2: {  	[smem:$0x3F99] =	sst lr;
	_ =	strace $0xD0000000  }
0x3: {  	_ = 	snop  }
0x4: {  	_ = 	snop  }
0x5: {  	_ = 	snop  }
0x6: {  	_ = 	snop  }
0x7: {  	_ = 	snop  }
__scs_overlays_trampoline_lowered:
0x8: {  	[smem:$0x3FA8] =	sst s0  }
0x9: {  	[smem:$0x3FA9] =	sst s1  }
0xa: {  	[smem:$0x3FAA] =	sst s2  }
0xb: {  	[smem:$0x3FAB] =	sst s3  }
0xc: {  	[smem:$0x3FAC] =	sst s4  }
0xd: {  	[smem:$0x3FAD] =	sst s5  }
0xe: {  	[smem:$0x3FAE] =	sst s6  }
0xf: {  	[smem:$0x3FAF] =	sst s7  }
0x10: {  	[smem:$0x3FB0] =	sst s8  }
0x11: {  	[smem:$0x3FB1] =	sst s9;
	s0 =	simm.s32 @!p0 $0x0  }
0x12: {  	s1 =	sld [smem:$0x3F97];
	s0 =	simm.s32 @p0 $0x1  }
0x13: {  	[smem:$0x3FB2] =	sst s0;
	s0 =	simm.s32 @!p1 $0x0  }
0x14: {  	s2 =	sld [smem:$0x3F96];
	s0 =	simm.s32 @p1 $0x1  }
0x15: {  	[smem:$0x3FB3] =	sst s0;
	s0 =	simm.s32 @!p2 $0x0  }
0x16: {  	s3 =	sld [smem:$0x3FDB];
	s0 =	simm.s32 @p2 $0x1  }
0x17: {  	s4 =	simm.s32 $0x1BF5;
	[smem:$0x3FB5] =	sst s0  }
0x18: {  	s0 =	sld [smem:$0x3F98];
	_ =	swait.ge [sflag:s4], $0x0  }
0x19: {  	s7 =	sld [smem:$0x3F99]  }
0x1a: {  	s8 =	sadd.s32 $0xFFFFE003, lr  }
0x1b: {  	s9 =	sadd.s32 $0xFFFFFEF7, lr;
	s5 =	simm.s32 $0xFFFFFFFF;
	p2 =	slt.u32 s8, $0xFFFFF086  }
0x1c: {  	p1 =	slt.u32 s9, $0xF7A;
	s5 =	simm.s32 @!p2 $0x0  }
0x1d: {  	s5 =	simm.s32 @p1 $0x1;
	p0 =	seq.s32 s7, s2  }
0x1e: {  	s7 =	smul.u32 @!p0 $0xF7A, s2;
	p2 =	seq.s32 @!p0 s5, $0x0  }
0x1f: {  	s9 =	smul.u32 $0xF7A, s1;
	s8 =	simm.s32 @!p0 $0x1BF5;
	p2 =	por !p2, p0  }
0x20: {  	[sflag:s8] =	ssyncset.s32 @!p0 $0xFFFFF086;
	s6 =	sadd.s32 @!p0 s3, s7;
	s7 =	simm.s32 @!p0 $0x108  }
0x21: {  	s3 =	sadd.s32 s3, s9;
	s6 =	sadd.s32 @!p0 $0x88, s6;
	s7 =	simm.s32 @p2 $0x1082  }
0x22: {  	[simem:s7], [sflag:s8] =	dma.local @!p0 [hbm:s6], $0xF7A  }
0x23: {  	s9 =	sor.u32 $0xD0000000, s2;
	s6 =	simm.s32 $0x108;
	_ =	swait.ge @!p0 [sflag:s8], $0x0  }
0x24: {  	s3 =	sadd.s32 $0x88, s3;
	s6 =	simm.s32 @!p1 $0x1082;
	[sflag:s4] =	ssyncset.s32 $0xFFFFF086  }
0x25: {  	[simem:s6], [sflag:s4] =	dma.local [hbm:s3], $0xF7A  }
0x26: {  	[smem:$0x3F99] =	sst s1;
	(tag) =	ssettag s2;
	_ =	strace s9  }
0x27: {  	s1 =	sld [smem:$0x3FA9]  }
0x28: {  	s2 =	sld [smem:$0x3FAA]  }
0x29: {  	s4 =	sld [smem:$0x3FAC]  }
0x2a: {  	p0 =	seq.s32 s5, $0x0;
	s5 =	sld [smem:$0x3FAD]  }
0x2b: {  	s6 =	sld [smem:$0x3FAE]  }
0x2c: {  	s7 =	sld [smem:$0x3FAF]  }
0x2d: {  	s3 =	simm.s32 $0x108;
	s8 =	sld [smem:$0x3FB0]  }
0x2e: {  	s3 =	simm.s32 @!p0 $0x1082;
	s9 =	sld [smem:$0x3FB1]  }
0x2f: {  	lr =	sadd.s32 s0, s3;
	s0 =	sld [smem:$0x3FA8]  }
0x30: {  	s3 =	sld [smem:$0x3FAB]  }
0x31: {  	[smem:$0x3FB4] =	sst s10  }
0x32: {  	s10 =	sld [smem:$0x3FB2];
	_ =	sdelay $0x3  }
0x33: {  	p0 =	seq.s32 s10, $0x1;
	s10 =	sld [smem:$0x3FB4];
	_ =	sdelay $0x3  }
0x34: {  	[smem:$0x3FB4] =	sst s10  }
0x35: {  	s10 =	sld [smem:$0x3FB3];
	_ =	sdelay $0x3  }
0x36: {  	p1 =	seq.s32 s10, $0x1;
	s10 =	sld [smem:$0x3FB4];
	_ =	sdelay $0x3  }
0x37: {  	[smem:$0x3FB4] =	sst s10  }
0x38: {  	s10 =	sld [smem:$0x3FB5]  }
0x39: {  	_ = 	snop;
	(pc) =	sbr.ind lr, $3  }
0x3a: {  	_ = 	snop  }
0x3b: {  	_ = 	snop  }
0x3c: {  	p2 =	seq.s32 s10, $0x1;
	s10 =	sld [smem:$0x3FB4]  }
0x3d: {  	_ =	shalt  }
0x3e: {  	_ =	shalt  }
0x3f: {  	_ =	shalt  }
0x40: {  	_ =	shalt  }
0x41: {  	_ =	shalt  }
0x42: {  	_ =	shalt  }
0x43: {  	_ =	shalt  }
0x44: {  	_ =	shalt  }
0x45: {  	_ =	shalt  }
0x46: {  	_ =	shalt  }
0x47: {  	_ =	shalt  }
0x48: {  	_ =	shalt  }
0x49: {  	_ =	shalt  }
0x4a: {  	_ =	shalt  }
0x4b: {  	_ =	shalt  }
0x4c: {  	_ =	shalt  }
0x4d: {  	_ =	shalt  }
0x4e: {  	_ =	shalt  }
0x4f: {  	_ =	shalt  }
0x50: {  	_ =	shalt  }
0x51: {  	_ =	shalt  }
0x52: {  	_ =	shalt  }
0x53: {  	_ =	shalt  }
0x54: {  	_ =	shalt  }
0x55: {  	_ =	shalt  }
0x56: {  	_ =	shalt  }
0x57: {  	_ =	shalt  }
0x58: {  	_ =	shalt  }
0x59: {  	_ =	shalt  }
0x5a: {  	_ =	shalt  }
0x5b: {  	_ =	shalt  }
0x5c: {  	_ =	shalt  }
0x5d: {  	_ =	shalt  }
0x5e: {  	_ =	shalt  }
0x5f: {  	_ =	shalt  }
0x60: {  	_ =	shalt  }
0x61: {  	_ =	shalt  }
0x62: {  	_ =	shalt  }
0x63: {  	_ =	shalt  }
0x64: {  	_ =	shalt  }
0x65: {  	_ =	shalt  }
0x66: {  	_ =	shalt  }
0x67: {  	_ =	shalt  }
0x68: {  	_ =	shalt  }
0x69: {  	_ =	shalt  }
0x6a: {  	_ =	shalt  }
0x6b: {  	_ =	shalt  }
0x6c: {  	_ =	shalt  }
0x6d: {  	_ =	shalt  }
0x6e: {  	_ =	shalt  }
0x6f: {  	_ =	shalt  }
0x70: {  	_ =	shalt  }
0x71: {  	_ =	shalt  }
0x72: {  	_ =	shalt  }
0x73: {  	_ =	shalt  }
0x74: {  	_ =	shalt  }
0x75: {  	_ =	shalt  }
0x76: {  	_ =	shalt  }
0x77: {  	_ =	shalt  }
0x78: {  	_ =	shalt  }
0x79: {  	_ =	shalt  }
0x7a: {  	_ =	shalt  }
0x7b: {  	_ =	shalt  }
0x7c: {  	_ =	shalt  }
0x7d: {  	_ =	shalt  }
0x7e: {  	_ =	shalt  }
0x7f: {  	_ =	shalt  }
0x80: {  	_ =	shalt  }
0x81: {  	_ =	shalt  }
0x82: {  	_ =	shalt  }
0x83: {  	_ =	shalt  }
0x84: {  	_ =	shalt  }
0x85: {  	_ =	shalt  }
0x86: {  	_ =	shalt  }
0x87: {  	_ =	shalt  }
.Lfunc_end0:
.L_simem_size_0:
called_computation.2_lowered:
.L_overlay_start_0:
0x88: {  	s2 =	sld [smem:$0x3FD9]  }
0x89: {  	s3 =	sld [smem:$0x3FFE];
	_ =	sdelay $0x1  }
0x8a: {  	s1 =	srdreg.scid  }
0x8b: {  	s0 =	sand.u32 $0x1, s1  }
0x8c: {  	s17 =	sshll.u32 s0, $0xA;
	s2 =	sadd.s32 s3, s2  }
0x8d: {  	s2 =	sadd.s32 s2, s17  }
0x8e: {  	[smem:$0x3FC0] =	sst s2  }
0x8f: {  	_ = 	snop  }
0x90: {  	s2 =	sld [smem:$0x3FD0];
	(tm) =	ssettm $0x1  }
0x91: {  	s18 =	sld [smem:$0x3FFB];
	_ =	sdelay $0x3  }
0x92: {  	_ =	strace s18  }
0x93: {  	s3 =	sld [smem:$0x3FFC];
	_ =	sdelay $0x3  }
0x94: {  	_ =	strace s3  }
0x95: {  	s3 =	sld [smem:$0x3FFD];
	_ =	sdelay $0x3  }
0x96: {  	_ =	strace s3  }
0x97: {  	_ =	strace $0x8FFFFFFF  }
0x98: {  	s19 =	sld [smem:$0x3FDB];
	_ =	sdelay $0x1  }
0x99: {  	s4 =	simm.s32 $_scs_section_size  }
0x9a: {  	s5 =	simm.s32 $_size__tile_overlayer_lowered;
	s6 =	simm.s32 $_tile_overlayer_lowered  }
0x9b: {  	s22 =	simm.s32 $0x1BFF;
	s21 =	sshll.u32 s6, $0x1;
	s3 =	sadd.s32 s4, s19  }
0x9c: {  	s7 =	simm.s32 $0x0;
	s20 =	sshll.u32 s5, $0x1;
	s5 =	sadd.s32 s21, s3  }
0x9d: {  	[timem:s7], [sflag:s22] =	dma.local [hbm:s5], s20  }
0x9e: {  	_ =	swait.ge [sflag:s22], s20  }
0x9f: {  	s4 =	ssub.s32 $0x0, s20;
	[sflag:s22] =	ssyncset.done $0x0  }
0xa0: {  	[sflag:s22] =	ssyncadd.s32 s4;
	_ =	sdelay $0x1  }
0xa1: {  	s23 =	simm.s32 $0x1B8B  }
0xa2: {  	_ =	swait.ge [sflag:s23], $0x1  }
0xa3: {  	[sflag:s23] =	ssyncset.done $0x0  }
0xa4: {  	s25 =	simm.s32 $0x1B8E;
	s24 =	sld [smem:$0x3FFE];
	[sflag:s23] =	ssyncadd.s32 $0xFFFFFFFF  }
0xa5: {  	s26 =	simm.s32 $execute0_lowered;
	[smem:$0x3FD2] =	sst s25  }
0xa6: {  	s5 =	sshll.u32 s26, $0x1;
	_ =	strace $0x8000004C;
	[dreg:$0x1] =	wrdreg $0xFFFFFFFF  }
0xa7: {  	s28 =	simm.s32 $_size_execute0_lowered;
	s3 =	sadd.s32 s3, s5;
	[dreg:$0x0] =	wrdreg $0x0  }
0xa8: {  	s5 =	sshll.u32 s28, $0x1;
	[dreg:$0x2] =	wrdreg s3  }
0xa9: {  	[dreg:$0x3] =	wrdreg s5  }
0xaa: {  	[dreg:$0x4] =	wrdreg $0xC0  }
0xab: {  	_ =	task [dreg:s7], $0x5FFFF  }
0xac: {  	[dreg:$0x1] =	wrdreg $0xFFFFFFFF  }
0xad: {  	[dreg:$0x0] =	wrdreg $0x60  }
0xae: {  	[dreg:$0x2] =	wrdreg s2  }
0xaf: {  	[dreg:$0x3] =	wrdreg s24  }
0xb0: {  	[dreg:$0x4] =	wrdreg $0x154000  }
0xb1: {  	[dreg:$0x5] =	wrdreg $0x9  }
0xb2: {  	_ =	task.clear_ibuf [dreg:s7], $0x6FFFF;
	_ =	strace $0x9000004C  }
0xb3: {  	s29 =	simm.s32 $0x9;
	_ =	strace $0x8000004E  }
0xb4: {  	_ =	swait.ge [sflag:s29], $0x1  }
0xb5: {  	[sflag:s29] =	ssyncadd.s32 $0xFFFFFFFF  }
0xb6: {  	_ =	strace $0x9000004E  }
0xb7: {  	_ =	sfence  }
0xb8: {  	s30 =	sld [smem:$0x0];
	_ =	sdelay $0x2  }
0xb9: {  	s31 =	sshll.u32 s1, $0xD;
	s1 =	sshrl.u32 s1, $0x2  }
0xba: {  	s3 =	sand.u32 $0x4000, s31;
	s1 =	sadd.s32 s1, s30  }
0xbb: {  	s0 =	sor.u32 s3, s0;
	s1 =	sshll.u32 s1, $0x11  }
0xbc: {  	s0 =	sor.u32 s1, s0  }
0xbd: {  	s0 =	sadd.s32 $0x8F2B, s0  }
0xbe: {  	[sflag:s0] =	ssyncadd.remote.s32 $0x1  }
0xbf: {  	_ =	sfence.sel $0xFFFF  }
0xc0: {  	[dreg:$0x0] =	wrdreg $0xFFFFFFFF;
	(pc) =	sbr.abs _section_cstart, $3  }
0xc1: {  	[dreg:$0x1] =	wrdreg $0xFFFFFFFF  }
0xc2: {  	_ =	task.clear_ibuf [dreg:s7], $0x2FFFF;
	_ =	strace $0x9FFFFFFF  }
0xc3: {  	(tm) =	ssettm $0x7FFFFFFF  }
tec
execute0_lowered:
.L_overlay_start_1:
0x0: {  	(tag) =	ssettag $0x1  }
0x1: {  	s1 =	rddreg [dreg:$0x0]  }
0x2: {  	s5 =	rddreg [dreg:$0x1];
	s0 =	stileid.u32  }
0x3: {  	s2 =	srdreg.scid;
	s3 =	rddreg [dreg:$0x2];
	s4 =	simm.s32 $0x0  }
0x4: {  	s15 =	simm.s32 $0x5000;
	s16 =	simm.s32 $0x12000;
	s17 =	simm.s32 $0x7D  }
0x5: {  	s18 =	simm.s32 $0xA000;
	s19 =	simm.s32 $0x80;
	s20 =	simm.s32 $0xE000  }
0x6: {  	s21 =	simm.s32 $0x1;
	s22 =	simm.s32 $0x2;
	s6 =	smul.u32 $0x5000, s0  }
0x7: {  	s23 =	simm.s32 $0x9F00;
	s24 =	simm.s32 $0x9F80;
	s10 =	smul.u32 $0x27000, s0  }
0x8: {  	s7 =	sand.u32 $0x1, s2;
	s2 =	rddreg [dreg:$0x3];
	s30 =	smul.u32 $0x1380, s0  }
0x9: {  	s25 =	simm.s32 $0x0;
	[smem:$0x7FF] =	sst s4;
	s8 =	smul.u32 $0x50000, s7  }
0xa: {  	s13 =	sadd.s32 $0x22A00, s5;
	p0 =	sne.s32 s0, $0xF;
	s12 =	smul.u32 $0x13880, s7  }
0xb: {  	_ =	strace $0x8000004D;
	s28 =	ssub.s32 $0x2, s7;
	s29 =	smul.u32 $0x9C400, s7  }
0xc: {  	s7 =	sadd.s32 $0x9C000, s3;
	s9 =	sshrl.u32 s6, $0x3;
	s11 =	sshrl.u32 s28, $0x1  }
0xd: {  	s10 =	sshrl.u32 s10, $0x2;
	s9 =	sadd.s32 s9, s5;
	s6 =	sadd.s32 s6, s8  }
0xe: {  	s11 =	ssub.s32 s28, s11;
	s14 =	sshrl.u32 s29, $0x3;
	s8 =	sadd.s32 s10, s3  }
0xf: {  	s6 =	sshrl.u32 s6, $0x3;
	s31 =	sadd.s32 s13, s14;
	s11 =	smax.u32 s11, $0x1  }
0x10: {  	s14 =	simm.s32 $0x3;
	s6 =	sadd.s32 s6, s5;
	s5 =	sadd.s32 $0x4A00, s9  }
0x11: {  	s9 =	sadd.s32 s30, s12;
	s10 =	sadd.s32 $0x13800, s31;
	s12 =	sadd.s32 $0x3400, s8  }
0x12: {  	v0 =	vimm.f32 $0.0e+00;
	s6 =	sadd.s32 $0xEA00, s6;
	s9 =	sadd.s32 s13, s9;
	s13 =	sadd.s32 $0x6800, s8  }
.LBB2_1:
0x13: {  	[tilespmem:s4], [sflag:$0x3] =	stream.linear.gather [hbm4b:s5+s4], $0x5000, $0x38;
	[tilespmem:$0x1F0C0] =	vst v63  }
0x14: {  	_ =	swait.ge [sflag:s14], $0x5000  }
0x15: {  	[sflag:s14] =	ssyncset.done $0x0  }
0x16: {  	[sflag:s14] =	ssyncadd.s32 $0xFFFFB000  }
0x17: {  	[tilespmem:s15], [sflag:$0x3] =	stream.linear.gather [hbm4b:s6+s4], $0x5000, $0x38;
	[tilespmem:$0x1F0C0] =	vst v63  }
0x18: {  	_ =	swait.ge [sflag:s14], $0x5000  }
0x19: {  	[sflag:s14] =	ssyncset.done $0x0  }
0x1a: {  	s26 =	simm.s32 $0x70;
	s28 =	simm.s32 $0x3C0;
	[sflag:s14] =	ssyncadd.s32 $0xFFFFB000  }
.LBB2_2:
0x1b: {  	p1 =	sne.s32 s28, $0xCFC0;
	[tilespmem:s26+$0x12000] =	vst v0  }
0x1c: {  	[tilespmem:s26+$0x11F90] =	vst v0  }
0x1d: {  	[tilespmem:s26+$0x11FA0] =	vst v0  }
.Ltmp0:
0x1e: {  	[tilespmem:s26+$0x11FB0] =	vst v0;
	(pc) =	sbr.rel @p1 .LBB2_2-.Ltmp0, $4  }
0x1f: {  	[tilespmem:s26+$0x11FC0] =	vst v0  }
0x20: {  	[tilespmem:s26+$0x11FD0] =	vst v0  }
0x21: {  	[tilespmem:s26+$0x11FE0] =	vst v0  }
0x22: {  	[tilespmem:s26+$0x11FF0] =	vst v0;
	s26 =	sshra.s32 s28, $0x2;
	s28 =	sadd.s32 $0x200, s28  }
0x23: {  	[tilespmem:s26+$0x12000] =	vst v0  }
0x24: {  	[tilespmem:s26+$0x11F90] =	vst v0  }
0x25: {  	[tilespmem:s26+$0x11FA0] =	vst v0  }
0x26: {  	[tilespmem:s26+$0x11FB0] =	vst v0  }
0x27: {  	[tilespmem:s26+$0x11FC0] =	vst v0  }
0x28: {  	[tilespmem:s26+$0x11FD0] =	vst v0  }
0x29: {  	[tilespmem:s26+$0x11FE0] =	vst v0  }
0x2a: {  	[tilespmem:s26+$0x11FF0] =	vst v0  }
0x2b: {  	[spmem:s8] =	stream.linear.scatter [tilespmem:s16], [sflag:$0x3], $0x3400, $0x38;
	[tilespmem:$0x1F0C0] =	vst v63  }
0x2c: {  	_ =	swait.ge [sflag:s14], $0x3400  }
0x2d: {  	[sflag:s14] =	ssyncset.done $0x0  }
0x2e: {  	[sflag:s14] =	ssyncadd.s32 $0xFFFFCC00  }
0x2f: {  	[spmem:s12] =	stream.linear.scatter [tilespmem:s16], [sflag:$0x3], $0x3400, $0x38;
	[tilespmem:$0x1F0C0] =	vst v63  }
0x30: {  	_ =	swait.ge [sflag:s14], $0x3400  }
0x31: {  	[sflag:s14] =	ssyncset.done $0x0  }
0x32: {  	[sflag:s14] =	ssyncadd.s32 $0xFFFFCC00  }
0x33: {  	[spmem:s13] =	stream.linear.scatter [tilespmem:s16], [sflag:$0x3], $0x3400, $0x38;
	[tilespmem:$0x1F0C0] =	vst v63  }
0x34: {  	_ =	swait.ge [sflag:s14], $0x3400  }
0x35: {  	[sflag:s14] =	ssyncset.done $0x0  }
0x36: {  	s26 =	simm.s32 @!p0 $0x12000;
	[sflag:s14] =	ssyncadd.s32 $0xFFFFCC00  }
0x37: {  	[spmem:s7] =	stream.linear.scatter @!p0 [tilespmem:s26], [sflag:$0x3], $0xC00, $0x38;
	[tilespmem:$0x1F0C0] =	vst v63  }
0x38: {  	s26 =	simm.s32 @!p0 $0x3  }
0x39: {  	_ =	swait.ge @!p0 [sflag:s26], $0xC00  }
0x3a: {  	[sflag:s26] =	ssyncset.done @!p0 $0x0  }
0x3b: {  	[sflag:s26] =	ssyncadd.s32 @!p0 $0xFFFFF400  }
0x3c: {  	s31 =	simm.s32 $0x0;
	[bflag:$0x0] =	sbarrier.arrive $0xFFFF  }
0x3d: {  	[tilespmem:s18], [sflag:$0x1] =	stream.indirect.gather [hbm4b:s1+s17], $0x80, s31, s17, $0xb8;
	[tilespmem:$0x1F0C0] =	vst v63  }
0x3e: {  	_ = 	snop  }
0x3f: {  	[tilespmem:s20], [sflag:$0x2] =	stream.indirect.gather [hbm4b:s1+s17], $0x80, s19, s17, $0xb8;
	[tilespmem:$0x1F0C0] =	vst v63  }
0x40: {  	_ =	swait.ge [sflag:s21], $0x3E80  }
0x41: {  	[sflag:s21] =	ssyncset.done $0x0  }
0x42: {  	s29 =	simm.s32 $0x5000;
	[sflag:s21] =	ssyncadd.s32 $0xFFFFC180  }
0x43: {  	[spmem:s3] =	stream.indirect.scatter.add.f32 [tilespmem:s18], [sflag:$0x3], $0x80, s29, s17, $0xb8;
	[tilespmem:$0x1F0C0] =	vst v63  }
0x44: {  	_ =	swait.ge [sflag:s14], $0x3E80  }
0x45: {  	[sflag:s14] =	ssyncset.done $0x0  }
0x46: {  	s30 =	simm.s32 $0x100;
	[sflag:s14] =	ssyncadd.s32 $0xFFFFC180  }
0x47: {  	[tilespmem:s18], [sflag:$0x1] =	stream.indirect.gather [hbm4b:s1+s17], $0x80, s30, s17, $0xb8;
	[tilespmem:$0x1F0C0] =	vst v63  }
0x48: {  	_ =	swait.ge [sflag:s22], $0x3E80  }
0x49: {  	[sflag:s22] =	ssyncset.done $0x0  }
0x4a: {  	s31 =	simm.s32 $0x5080;
	[sflag:s22] =	ssyncadd.s32 $0xFFFFC180  }
0x4b: {  	[spmem:s3] =	stream.indirect.scatter.add.f32 [tilespmem:s20], [sflag:$0x3], $0x80, s31, s17, $0xb8;
	[tilespmem:$0x1F0C0] =	vst v63  }
0x4c: {  	_ =	swait.ge [sflag:s14], $0x3E80  }
0x4d: {  	[sflag:s14] =	ssyncset.done $0x0  }
0x4e: {  	s28 =	simm.s32 $0x180;
	s26 =	simm.s32 $0x400;
	[sflag:s14] =	ssyncadd.s32 $0xFFFFC180  }
.LBB2_4:
0x4f: {  	[tilespmem:s20], [sflag:$0x2] =	stream.indirect.gather [hbm4b:s1+s17], $0x80, s28, s17, $0xb8;
	[tilespmem:$0x1F0C0] =	vst v63  }
0x50: {  	s28 =	smov.u32 s26  }
0x51: {  	p1 =	sne.s32 s26, $0x13800;
	s26 =	sadd.s32 $0x400, s26;
	_ =	swait.ge [sflag:s21], $0x3E80  }
0x52: {  	s28 =	sshra.s32 s28, $0x2;
	[sflag:s21] =	ssyncset.done $0x0  }
0x53: {  	s29 =	sadd.s32 $0x5000, s28;
	[sflag:s21] =	ssyncadd.s32 $0xFFFFC180  }
0x54: {  	[spmem:s3] =	stream.indirect.scatter.add.f32 [tilespmem:s18], [sflag:$0x3], $0x80, s29, s17, $0xb8;
	[tilespmem:$0x1F0C0] =	vst v63  }
0x55: {  	_ =	swait.ge [sflag:s14], $0x3E80  }
0x56: {  	[sflag:s14] =	ssyncset.done $0x0  }
0x57: {  	s29 =	sadd.s32 $0x100, s28;
	[sflag:s14] =	ssyncadd.s32 $0xFFFFC180  }
0x58: {  	[tilespmem:s18], [sflag:$0x1] =	stream.indirect.gather [hbm4b:s1+s17], $0x80, s29, s17, $0xb8;
	[tilespmem:$0x1F0C0] =	vst v63  }
0x59: {  	_ =	swait.ge [sflag:s22], $0x3E80  }
0x5a: {  	[sflag:s22] =	ssyncset.done $0x0  }
.Ltmp1:
0x5b: {  	s29 =	sadd.s32 $0x5080, s28;
	[sflag:s22] =	ssyncadd.s32 $0xFFFFC180;
	(pc) =	sbr.rel @p1 .LBB2_4-.Ltmp1, $4  }
0x5c: {  	[spmem:s3] =	stream.indirect.scatter.add.f32 [tilespmem:s20], [sflag:$0x3], $0x80, s29, s17, $0xb8;
	[tilespmem:$0x1F0C0] =	vst v63  }
0x5d: {  	_ =	swait.ge [sflag:s14], $0x3E80  }
0x5e: {  	[sflag:s14] =	ssyncset.done $0x0  }
0x5f: {  	s28 =	sadd.s32 $0x180, s28;
	[sflag:s14] =	ssyncadd.s32 $0xFFFFC180  }
0x60: {  	[tilespmem:s20], [sflag:$0x2] =	stream.indirect.gather [hbm4b:s1+s17], $0x80, s28, s17, $0xb8;
	[tilespmem:$0x1F0C0] =	vst v63  }
0x61: {  	_ =	swait.ge [sflag:s21], $0x3E80  }
0x62: {  	[sflag:s21] =	ssyncset.done $0x0  }
0x63: {  	[sflag:s21] =	ssyncadd.s32 $0xFFFFC180  }
0x64: {  	[spmem:s3] =	stream.indirect.scatter.add.f32 [tilespmem:s18], [sflag:$0x3], $0x80, s23, s17, $0xb8;
	[tilespmem:$0x1F0C0] =	vst v63  }
0x65: {  	_ =	swait.ge [sflag:s14], $0x3E80  }
0x66: {  	[sflag:s14] =	ssyncset.done $0x0  }
0x67: {  	[sflag:s14] =	ssyncadd.s32 $0xFFFFC180  }
0x68: {  	_ =	swait.ge [sflag:s22], $0x3E80  }
0x69: {  	[sflag:s22] =	ssyncset.done $0x0  }
0x6a: {  	[sflag:s22] =	ssyncadd.s32 $0xFFFFC180  }
0x6b: {  	[spmem:s3] =	stream.indirect.scatter.add.f32 [tilespmem:s20], [sflag:$0x3], $0x80, s24, s17, $0xb8;
	[tilespmem:$0x1F0C0] =	vst v63  }
0x6c: {  	_ =	swait.ge [sflag:s14], $0x3E80  }
0x6d: {  	[sflag:s14] =	ssyncset.done $0x0  }
0x6e: {  	s26 =	sshll.u32 s0, $0x6;
	[sflag:s14] =	ssyncadd.s32 $0xFFFFC180  }
0x6f: {  	s31 =	sshrl.u32 s8, $0x3;
	s26 =	sor.u32 $0x1C03, s26;
	[bflag:$0x0] =	sbarrier.arrive $0xFFFF  }
0x70: {  	[hbm:s9], [sflag:s26] =	dma.local [spmem:s31], $0x1380  }
0x71: {  	_ =	swait.ge [sflag:s14], $0x1380  }
0x72: {  	s25 =	sadd.s32 $0x1, s25;
	[sflag:s14] =	ssyncset.done $0x0  }
0x73: {  	s28 =	sshrl.u32 @!p0 s7, $0x3;
	p1 =	sne.s32 s25, s11;
	[sflag:s14] =	ssyncadd.s32 $0xFFFFEC80  }
0x74: {  	[hbm:s10], [sflag:s26] =	dma.local @!p0 [spmem:s28], $0x80  }
.Ltmp2:
0x75: {  	_ = 	snop;
	(pc) =	sbr.rel @p1 .LBB2_1-.Ltmp2, $4  }
0x76: {  	s26 =	simm.s32 @!p0 $0x3  }
0x77: {  	_ =	swait.ge @!p0 [sflag:s26], $0x80  }
0x78: {  	[sflag:s26] =	ssyncset.done @!p0 $0x0  }
0x79: {  	[sflag:s26] =	ssyncadd.s32 @!p0 $0xFFFFFF80  }
0x7a: {  	_ =	sfence.sel $0x180000  }
0x7b: {  	[bflag:$0x0] =	sbarrier.arrive $0xFFFF  }
0x7c: {  	p0 =	sne.s32 s0, $0x0;
	_ =	strace $0x9000004D  }
0x7d: {  	s0 =	sadd.s32 @!p0 $0x100000, s2;
	[bflag:$0x2] =	sbarrier.arrive $0xFFFF  }
0x7e: {  	[sflag:s0] =	ssyncadd.tile.s32 @!p0 $0x1;
	_ =	shalt  }
.Lfunc_end2:
_tile_overlayer_lowered:
.L_overlay_start_2:
0x7f: {  	(tag) =	ssettag $0x2  }
0x80: {  	s0 =	rddreg [dreg:$0x0];
	s2 =	stileid.u32  }
0x81: {  	s1 =	rddreg [dreg:$0x1];
	p0 =	sne.s32 s2, $0x0  }
0x82: {  	s3 =	rddreg [dreg:$0x2];
	[bflag:$0x3] =	sbarrier.arrive $0xFFFF;
	s2 =	simm.s32 @!p0 $0x1C03  }
0x83: {  	[timem:s3], [sflag:s2] =	dma.local @!p0 [hbm:s0], s1  }
0x84: {  	s0 =	simm.s32 @!p0 $0x3  }
0x85: {  	_ =	swait.ge @!p0 [sflag:s0], s1  }
0x86: {  	s1 =	ssub.s32 @!p0 $0x0, s1;
	[sflag:s0] =	ssyncset.done @!p0 $0x0  }
0x87: {  	[sflag:s0] =	ssyncadd.s32 @!p0 s1  }
0x88: {  	[bflag:$0x3] =	sbarrier.arrive $0xFFFF  }
0x89: {  	_ =	shalt  }

// kernel: kernel.19.cloned.1.call-start
scs
__scs_entry_jumppad:
0x0: {  	(pc) =	sbr.rel $0x88, $3  }
0x1: {  	(tag) =	ssettag $0x0;
	lr =	simm.s32 $0x1  }
0x2: {  	[smem:$0x3F99] =	sst lr;
	_ =	strace $0xD0000000  }
0x3: {  	_ = 	snop  }
0x4: {  	_ = 	snop  }
0x5: {  	_ = 	snop  }
0x6: {  	_ = 	snop  }
0x7: {  	_ = 	snop  }
__scs_overlays_trampoline_lowered:
0x8: {  	[smem:$0x3FA8] =	sst s0  }
0x9: {  	[smem:$0x3FA9] =	sst s1  }
0xa: {  	[smem:$0x3FAA] =	sst s2  }
0xb: {  	[smem:$0x3FAB] =	sst s3  }
0xc: {  	[smem:$0x3FAC] =	sst s4  }
0xd: {  	[smem:$0x3FAD] =	sst s5  }
0xe: {  	[smem:$0x3FAE] =	sst s6  }
0xf: {  	[smem:$0x3FAF] =	sst s7  }
0x10: {  	[smem:$0x3FB0] =	sst s8  }
0x11: {  	[smem:$0x3FB1] =	sst s9;
	s0 =	simm.s32 @!p0 $0x0  }
0x12: {  	s1 =	sld [smem:$0x3F97];
	s0 =	simm.s32 @p0 $0x1  }
0x13: {  	[smem:$0x3FB2] =	sst s0;
	s0 =	simm.s32 @!p1 $0x0  }
0x14: {  	s2 =	sld [smem:$0x3F96];
	s0 =	simm.s32 @p1 $0x1  }
0x15: {  	[smem:$0x3FB3] =	sst s0;
	s0 =	simm.s32 @!p2 $0x0  }
0x16: {  	s3 =	sld [smem:$0x3FDB];
	s0 =	simm.s32 @p2 $0x1  }
0x17: {  	s4 =	simm.s32 $0x1BF5;
	[smem:$0x3FB5] =	sst s0  }
0x18: {  	s0 =	sld [smem:$0x3F98];
	_ =	swait.ge [sflag:s4], $0x0  }
0x19: {  	s7 =	sld [smem:$0x3F99]  }
0x1a: {  	s8 =	sadd.s32 $0xFFFFE003, lr  }
0x1b: {  	s9 =	sadd.s32 $0xFFFFFEF7, lr;
	s5 =	simm.s32 $0xFFFFFFFF;
	p2 =	slt.u32 s8, $0xFFFFF086  }
0x1c: {  	p1 =	slt.u32 s9, $0xF7A;
	s5 =	simm.s32 @!p2 $0x0  }
0x1d: {  	s5 =	simm.s32 @p1 $0x1;
	p0 =	seq.s32 s7, s2  }
0x1e: {  	s7 =	smul.u32 @!p0 $0xF7A, s2;
	p2 =	seq.s32 @!p0 s5, $0x0  }
0x1f: {  	s9 =	smul.u32 $0xF7A, s1;
	s8 =	simm.s32 @!p0 $0x1BF5;
	p2 =	por !p2, p0  }
0x20: {  	[sflag:s8] =	ssyncset.s32 @!p0 $0xFFFFF086;
	s6 =	sadd.s32 @!p0 s3, s7;
	s7 =	simm.s32 @!p0 $0x108  }
0x21: {  	s3 =	sadd.s32 s3, s9;
	s6 =	sadd.s32 @!p0 $0x88, s6;
	s7 =	simm.s32 @p2 $0x1082  }
0x22: {  	[simem:s7], [sflag:s8] =	dma.local @!p0 [hbm:s6], $0xF7A  }
0x23: {  	s9 =	sor.u32 $0xD0000000, s2;
	s6 =	simm.s32 $0x108;
	_ =	swait.ge @!p0 [sflag:s8], $0x0  }
0x24: {  	s3 =	sadd.s32 $0x88, s3;
	s6 =	simm.s32 @!p1 $0x1082;
	[sflag:s4] =	ssyncset.s32 $0xFFFFF086  }
0x25: {  	[simem:s6], [sflag:s4] =	dma.local [hbm:s3], $0xF7A  }
0x26: {  	[smem:$0x3F99] =	sst s1;
	(tag) =	ssettag s2;
	_ =	strace s9  }
0x27: {  	s1 =	sld [smem:$0x3FA9]  }
0x28: {  	s2 =	sld [smem:$0x3FAA]  }
0x29: {  	s4 =	sld [smem:$0x3FAC]  }
0x2a: {  	p0 =	seq.s32 s5, $0x0;
	s5 =	sld [smem:$0x3FAD]  }
0x2b: {  	s6 =	sld [smem:$0x3FAE]  }
0x2c: {  	s7 =	sld [smem:$0x3FAF]  }
0x2d: {  	s3 =	simm.s32 $0x108;
	s8 =	sld [smem:$0x3FB0]  }
0x2e: {  	s3 =	simm.s32 @!p0 $0x1082;
	s9 =	sld [smem:$0x3FB1]  }
0x2f: {  	lr =	sadd.s32 s0, s3;
	s0 =	sld [smem:$0x3FA8]  }
0x30: {  	s3 =	sld [smem:$0x3FAB]  }
0x31: {  	[smem:$0x3FB4] =	sst s10  }
0x32: {  	s10 =	sld [smem:$0x3FB2];
	_ =	sdelay $0x3  }
0x33: {  	p0 =	seq.s32 s10, $0x1;
	s10 =	sld [smem:$0x3FB4];
	_ =	sdelay $0x3  }
0x34: {  	[smem:$0x3FB4] =	sst s10  }
0x35: {  	s10 =	sld [smem:$0x3FB3];
	_ =	sdelay $0x3  }
0x36: {  	p1 =	seq.s32 s10, $0x1;
	s10 =	sld [smem:$0x3FB4];
	_ =	sdelay $0x3  }
0x37: {  	[smem:$0x3FB4] =	sst s10  }
0x38: {  	s10 =	sld [smem:$0x3FB5]  }
0x39: {  	_ = 	snop;
	(pc) =	sbr.ind lr, $3  }
0x3a: {  	_ = 	snop  }
0x3b: {  	_ = 	snop  }
0x3c: {  	p2 =	seq.s32 s10, $0x1;
	s10 =	sld [smem:$0x3FB4]  }
0x3d: {  	_ =	shalt  }
0x3e: {  	_ =	shalt  }
0x3f: {  	_ =	shalt  }
0x40: {  	_ =	shalt  }
0x41: {  	_ =	shalt  }
0x42: {  	_ =	shalt  }
0x43: {  	_ =	shalt  }
0x44: {  	_ =	shalt  }
0x45: {  	_ =	shalt  }
0x46: {  	_ =	shalt  }
0x47: {  	_ =	shalt  }
0x48: {  	_ =	shalt  }
0x49: {  	_ =	shalt  }
0x4a: {  	_ =	shalt  }
0x4b: {  	_ =	shalt  }
0x4c: {  	_ =	shalt  }
0x4d: {  	_ =	shalt  }
0x4e: {  	_ =	shalt  }
0x4f: {  	_ =	shalt  }
0x50: {  	_ =	shalt  }
0x51: {  	_ =	shalt  }
0x52: {  	_ =	shalt  }
0x53: {  	_ =	shalt  }
0x54: {  	_ =	shalt  }
0x55: {  	_ =	shalt  }
0x56: {  	_ =	shalt  }
0x57: {  	_ =	shalt  }
0x58: {  	_ =	shalt  }
0x59: {  	_ =	shalt  }
0x5a: {  	_ =	shalt  }
0x5b: {  	_ =	shalt  }
0x5c: {  	_ =	shalt  }
0x5d: {  	_ =	shalt  }
0x5e: {  	_ =	shalt  }
0x5f: {  	_ =	shalt  }
0x60: {  	_ =	shalt  }
0x61: {  	_ =	shalt  }
0x62: {  	_ =	shalt  }
0x63: {  	_ =	shalt  }
0x64: {  	_ =	shalt  }
0x65: {  	_ =	shalt  }
0x66: {  	_ =	shalt  }
0x67: {  	_ =	shalt  }
0x68: {  	_ =	shalt  }
0x69: {  	_ =	shalt  }
0x6a: {  	_ =	shalt  }
0x6b: {  	_ =	shalt  }
0x6c: {  	_ =	shalt  }
0x6d: {  	_ =	shalt  }
0x6e: {  	_ =	shalt  }
0x6f: {  	_ =	shalt  }
0x70: {  	_ =	shalt  }
0x71: {  	_ =	shalt  }
0x72: {  	_ =	shalt  }
0x73: {  	_ =	shalt  }
0x74: {  	_ =	shalt  }
0x75: {  	_ =	shalt  }
0x76: {  	_ =	shalt  }
0x77: {  	_ =	shalt  }
0x78: {  	_ =	shalt  }
0x79: {  	_ =	shalt  }
0x7a: {  	_ =	shalt  }
0x7b: {  	_ =	shalt  }
0x7c: {  	_ =	shalt  }
0x7d: {  	_ =	shalt  }
0x7e: {  	_ =	shalt  }
0x7f: {  	_ =	shalt  }
0x80: {  	_ =	shalt  }
0x81: {  	_ =	shalt  }
0x82: {  	_ =	shalt  }
0x83: {  	_ =	shalt  }
0x84: {  	_ =	shalt  }
0x85: {  	_ =	shalt  }
0x86: {  	_ =	shalt  }
0x87: {  	_ =	shalt  }
.Lfunc_end0:
.L_simem_size_0:
called_computation.3_lowered:
.L_overlay_start_0:
0x88: {  	s2 =	sld [smem:$0x3FD9]  }
0x89: {  	s3 =	sld [smem:$0x3FFE];
	_ =	sdelay $0x1  }
0x8a: {  	s1 =	srdreg.scid  }
0x8b: {  	s0 =	sand.u32 $0x1, s1  }
0x8c: {  	s17 =	sshll.u32 s0, $0xA;
	s2 =	sadd.s32 s3, s2  }
0x8d: {  	s2 =	sadd.s32 s2, s17  }
0x8e: {  	[smem:$0x3FC0] =	sst s2  }
0x8f: {  	_ = 	snop  }
0x90: {  	s2 =	sld [smem:$0x3FD0];
	(tm) =	ssettm $0x1  }
0x91: {  	s18 =	sld [smem:$0x3FFB];
	_ =	sdelay $0x3  }
0x92: {  	_ =	strace s18  }
0x93: {  	s3 =	sld [smem:$0x3FFC];
	_ =	sdelay $0x3  }
0x94: {  	_ =	strace s3  }
0x95: {  	s3 =	sld [smem:$0x3FFD];
	_ =	sdelay $0x3  }
0x96: {  	_ =	strace s3  }
0x97: {  	_ =	strace $0x8FFFFFFF  }
0x98: {  	s19 =	sld [smem:$0x3FDB];
	_ =	sdelay $0x1  }
0x99: {  	s4 =	simm.s32 $_scs_section_size  }
0x9a: {  	s5 =	simm.s32 $_size__tile_overlayer_lowered;
	s6 =	simm.s32 $_tile_overlayer_lowered  }
0x9b: {  	s22 =	simm.s32 $0x1BFF;
	s21 =	sshll.u32 s6, $0x1;
	s3 =	sadd.s32 s4, s19  }
0x9c: {  	s7 =	simm.s32 $0x0;
	s20 =	sshll.u32 s5, $0x1;
	s5 =	sadd.s32 s21, s3  }
0x9d: {  	[timem:s7], [sflag:s22] =	dma.local [hbm:s5], s20  }
0x9e: {  	_ =	swait.ge [sflag:s22], s20  }
0x9f: {  	s4 =	ssub.s32 $0x0, s20;
	[sflag:s22] =	ssyncset.done $0x0  }
0xa0: {  	[sflag:s22] =	ssyncadd.s32 s4;
	_ =	sdelay $0x1  }
0xa1: {  	s23 =	simm.s32 $0x1B8B  }
0xa2: {  	_ =	swait.ge [sflag:s23], $0x1  }
0xa3: {  	[sflag:s23] =	ssyncset.done $0x0  }
0xa4: {  	s25 =	simm.s32 $0x1B8E;
	s24 =	sld [smem:$0x3FFE];
	[sflag:s23] =	ssyncadd.s32 $0xFFFFFFFF  }
0xa5: {  	s26 =	simm.s32 $execute0_lowered;
	[smem:$0x3FD2] =	sst s25  }
0xa6: {  	s5 =	sshll.u32 s26, $0x1;
	_ =	strace $0x8000004F;
	[dreg:$0x1] =	wrdreg $0xFFFFFFFF  }
0xa7: {  	s28 =	simm.s32 $_size_execute0_lowered;
	s3 =	sadd.s32 s3, s5;
	[dreg:$0x0] =	wrdreg $0x0  }
0xa8: {  	s5 =	sshll.u32 s28, $0x1;
	[dreg:$0x2] =	wrdreg s3  }
0xa9: {  	[dreg:$0x3] =	wrdreg s5  }
0xaa: {  	[dreg:$0x4] =	wrdreg $0xC0  }
0xab: {  	_ =	task [dreg:s7], $0x5FFFF  }
0xac: {  	[dreg:$0x1] =	wrdreg $0xFFFFFFFF  }
0xad: {  	[dreg:$0x0] =	wrdreg $0x60  }
0xae: {  	[dreg:$0x2] =	wrdreg s2  }
0xaf: {  	[dreg:$0x3] =	wrdreg s24  }
0xb0: {  	[dreg:$0x4] =	wrdreg $0x154000  }
0xb1: {  	[dreg:$0x5] =	wrdreg $0x9  }
0xb2: {  	_ =	task.clear_ibuf [dreg:s7], $0x6FFFF;
	_ =	strace $0x9000004F  }
0xb3: {  	s29 =	simm.s32 $0x9;
	_ =	strace $0x80000051  }
0xb4: {  	_ =	swait.ge [sflag:s29], $0x1  }
0xb5: {  	[sflag:s29] =	ssyncadd.s32 $0xFFFFFFFF  }
0xb6: {  	_ =	strace $0x90000051  }
0xb7: {  	_ =	sfence  }
0xb8: {  	s30 =	sld [smem:$0x0];
	_ =	sdelay $0x2  }
0xb9: {  	s31 =	sshll.u32 s1, $0xD;
	s1 =	sshrl.u32 s1, $0x2  }
0xba: {  	s3 =	sand.u32 $0x4000, s31;
	s1 =	sadd.s32 s1, s30  }
0xbb: {  	s0 =	sor.u32 s3, s0;
	s1 =	sshll.u32 s1, $0x11  }
0xbc: {  	s0 =	sor.u32 s1, s0  }
0xbd: {  	s0 =	sadd.s32 $0x8F2B, s0  }
0xbe: {  	[sflag:s0] =	ssyncadd.remote.s32 $0x1  }
0xbf: {  	_ =	sfence.sel $0xFFFF  }
0xc0: {  	[dreg:$0x0] =	wrdreg $0xFFFFFFFF;
	(pc) =	sbr.abs _section_cstart, $3  }
0xc1: {  	[dreg:$0x1] =	wrdreg $0xFFFFFFFF  }
0xc2: {  	_ =	task.clear_ibuf [dreg:s7], $0x2FFFF;
	_ =	strace $0x9FFFFFFF  }
0xc3: {  	(tm) =	ssettm $0x7FFFFFFF  }
tec
execute0_lowered:
.L_overlay_start_1:
0x0: {  	(tag) =	ssettag $0x1  }
0x1: {  	s1 =	rddreg [dreg:$0x0]  }
0x2: {  	s5 =	rddreg [dreg:$0x1];
	s0 =	stileid.u32  }
0x3: {  	s2 =	srdreg.scid;
	s3 =	rddreg [dreg:$0x2];
	s4 =	simm.s32 $0x0  }
0x4: {  	s15 =	simm.s32 $0x5000;
	s16 =	simm.s32 $0x12000;
	s17 =	simm.s32 $0x7D  }
0x5: {  	s18 =	simm.s32 $0xA000;
	s19 =	simm.s32 $0x80;
	s20 =	simm.s32 $0xE000  }
0x6: {  	s21 =	simm.s32 $0x1;
	s22 =	simm.s32 $0x2;
	s6 =	smul.u32 $0x5000, s0  }
0x7: {  	s23 =	simm.s32 $0x9F00;
	s24 =	simm.s32 $0x9F80;
	s10 =	smul.u32 $0x27000, s0  }
0x8: {  	s7 =	sand.u32 $0x1, s2;
	s2 =	rddreg [dreg:$0x3];
	s30 =	smul.u32 $0x1380, s0  }
0x9: {  	s25 =	simm.s32 $0x0;
	[smem:$0x7FF] =	sst s4;
	s8 =	smul.u32 $0x50000, s7  }
0xa: {  	s13 =	sadd.s32 $0x22A00, s5;
	p0 =	sne.s32 s0, $0xF;
	s12 =	smul.u32 $0x13880, s7  }
0xb: {  	_ =	strace $0x80000050;
	s28 =	ssub.s32 $0x2, s7;
	s29 =	smul.u32 $0x9C400, s7  }
0xc: {  	s7 =	sadd.s32 $0x9C000, s3;
	s9 =	sshrl.u32 s6, $0x3;
	s11 =	sshrl.u32 s28, $0x1  }
0xd: {  	s10 =	sshrl.u32 s10, $0x2;
	s9 =	sadd.s32 s9, s5;
	s6 =	sadd.s32 s6, s8  }
0xe: {  	s11 =	ssub.s32 s28, s11;
	s14 =	sshrl.u32 s29, $0x3;
	s8 =	sadd.s32 s10, s3  }
0xf: {  	s6 =	sshrl.u32 s6, $0x3;
	s31 =	sadd.s32 s13, s14;
	s11 =	smax.u32 s11, $0x1  }
0x10: {  	s14 =	simm.s32 $0x3;
	s6 =	sadd.s32 s6, s5;
	s5 =	sadd.s32 $0x4A00, s9  }
0x11: {  	s9 =	sadd.s32 s30, s12;
	s10 =	sadd.s32 $0x13800, s31;
	s12 =	sadd.s32 $0x3400, s8  }
0x12: {  	v0 =	vimm.f32 $0.0e+00;
	s6 =	sadd.s32 $0xEA00, s6;
	s9 =	sadd.s32 s13, s9;
	s13 =	sadd.s32 $0x6800, s8  }
.LBB2_1:
0x13: {  	[tilespmem:s4], [sflag:$0x3] =	stream.linear.gather [hbm4b:s5+s4], $0x5000, $0x38;
	[tilespmem:$0x1F0C0] =	vst v63  }
0x14: {  	_ =	swait.ge [sflag:s14], $0x5000  }
0x15: {  	[sflag:s14] =	ssyncset.done $0x0  }
0x16: {  	[sflag:s14] =	ssyncadd.s32 $0xFFFFB000  }
0x17: {  	[tilespmem:s15], [sflag:$0x3] =	stream.linear.gather [hbm4b:s6+s4], $0x5000, $0x38;
	[tilespmem:$0x1F0C0] =	vst v63  }
0x18: {  	_ =	swait.ge [sflag:s14], $0x5000  }
0x19: {  	[sflag:s14] =	ssyncset.done $0x0  }
0x1a: {  	s26 =	simm.s32 $0x70;
	s28 =	simm.s32 $0x3C0;
	[sflag:s14] =	ssyncadd.s32 $0xFFFFB000  }
.LBB2_2:
0x1b: {  	p1 =	sne.s32 s28, $0xCFC0;
	[tilespmem:s26+$0x12000] =	vst v0  }
0x1c: {  	[tilespmem:s26+$0x11F90] =	vst v0  }
0x1d: {  	[tilespmem:s26+$0x11FA0] =	vst v0  }
.Ltmp0:
0x1e: {  	[tilespmem:s26+$0x11FB0] =	vst v0;
	(pc) =	sbr.rel @p1 .LBB2_2-.Ltmp0, $4  }
0x1f: {  	[tilespmem:s26+$0x11FC0] =	vst v0  }
0x20: {  	[tilespmem:s26+$0x11FD0] =	vst v0  }
0x21: {  	[tilespmem:s26+$0x11FE0] =	vst v0  }
0x22: {  	[tilespmem:s26+$0x11FF0] =	vst v0;
	s26 =	sshra.s32 s28, $0x2;
	s28 =	sadd.s32 $0x200, s28  }
0x23: {  	[tilespmem:s26+$0x12000] =	vst v0  }
0x24: {  	[tilespmem:s26+$0x11F90] =	vst v0  }
0x25: {  	[tilespmem:s26+$0x11FA0] =	vst v0  }
0x26: {  	[tilespmem:s26+$0x11FB0] =	vst v0  }
0x27: {  	[tilespmem:s26+$0x11FC0] =	vst v0  }
0x28: {  	[tilespmem:s26+$0x11FD0] =	vst v0  }
0x29: {  	[tilespmem:s26+$0x11FE0] =	vst v0  }
0x2a: {  	[tilespmem:s26+$0x11FF0] =	vst v0  }
0x2b: {  	[spmem:s8] =	stream.linear.scatter [tilespmem:s16], [sflag:$0x3], $0x3400, $0x38;
	[tilespmem:$0x1F0C0] =	vst v63  }
0x2c: {  	_ =	swait.ge [sflag:s14], $0x3400  }
0x2d: {  	[sflag:s14] =	ssyncset.done $0x0  }
0x2e: {  	[sflag:s14] =	ssyncadd.s32 $0xFFFFCC00  }
0x2f: {  	[spmem:s12] =	stream.linear.scatter [tilespmem:s16], [sflag:$0x3], $0x3400, $0x38;
	[tilespmem:$0x1F0C0] =	vst v63  }
0x30: {  	_ =	swait.ge [sflag:s14], $0x3400  }
0x31: {  	[sflag:s14] =	ssyncset.done $0x0  }
0x32: {  	[sflag:s14] =	ssyncadd.s32 $0xFFFFCC00  }
0x33: {  	[spmem:s13] =	stream.linear.scatter [tilespmem:s16], [sflag:$0x3], $0x3400, $0x38;
	[tilespmem:$0x1F0C0] =	vst v63  }
0x34: {  	_ =	swait.ge [sflag:s14], $0x3400  }
0x35: {  	[sflag:s14] =	ssyncset.done $0x0  }
0x36: {  	s26 =	simm.s32 @!p0 $0x12000;
	[sflag:s14] =	ssyncadd.s32 $0xFFFFCC00  }
0x37: {  	[spmem:s7] =	stream.linear.scatter @!p0 [tilespmem:s26], [sflag:$0x3], $0xC00, $0x38;
	[tilespmem:$0x1F0C0] =	vst v63  }
0x38: {  	s26 =	simm.s32 @!p0 $0x3  }
0x39: {  	_ =	swait.ge @!p0 [sflag:s26], $0xC00  }
0x3a: {  	[sflag:s26] =	ssyncset.done @!p0 $0x0  }
0x3b: {  	[sflag:s26] =	ssyncadd.s32 @!p0 $0xFFFFF400  }
0x3c: {  	s31 =	simm.s32 $0x0;
	[bflag:$0x0] =	sbarrier.arrive $0xFFFF  }
0x3d: {  	[tilespmem:s18], [sflag:$0x1] =	stream.indirect.gather [hbm4b:s1+s17], $0x80, s31, s17, $0xb8;
	[tilespmem:$0x1F0C0] =	vst v63  }
0x3e: {  	_ = 	snop  }
0x3f: {  	[tilespmem:s20], [sflag:$0x2] =	stream.indirect.gather [hbm4b:s1+s17], $0x80, s19, s17, $0xb8;
	[tilespmem:$0x1F0C0] =	vst v63  }
0x40: {  	_ =	swait.ge [sflag:s21], $0x3E80  }
0x41: {  	[sflag:s21] =	ssyncset.done $0x0  }
0x42: {  	s29 =	simm.s32 $0x5000;
	[sflag:s21] =	ssyncadd.s32 $0xFFFFC180  }
0x43: {  	[spmem:s3] =	stream.indirect.scatter.add.f32 [tilespmem:s18], [sflag:$0x3], $0x80, s29, s17, $0xb8;
	[tilespmem:$0x1F0C0] =	vst v63  }
0x44: {  	_ =	swait.ge [sflag:s14], $0x3E80  }
0x45: {  	[sflag:s14] =	ssyncset.done $0x0  }
0x46: {  	s30 =	simm.s32 $0x100;
	[sflag:s14] =	ssyncadd.s32 $0xFFFFC180  }
0x47: {  	[tilespmem:s18], [sflag:$0x1] =	stream.indirect.gather [hbm4b:s1+s17], $0x80, s30, s17, $0xb8;
	[tilespmem:$0x1F0C0] =	vst v63  }
0x48: {  	_ =	swait.ge [sflag:s22], $0x3E80  }
0x49: {  	[sflag:s22] =	ssyncset.done $0x0  }
0x4a: {  	s31 =	simm.s32 $0x5080;
	[sflag:s22] =	ssyncadd.s32 $0xFFFFC180  }
0x4b: {  	[spmem:s3] =	stream.indirect.scatter.add.f32 [tilespmem:s20], [sflag:$0x3], $0x80, s31, s17, $0xb8;
	[tilespmem:$0x1F0C0] =	vst v63  }
0x4c: {  	_ =	swait.ge [sflag:s14], $0x3E80  }
0x4d: {  	[sflag:s14] =	ssyncset.done $0x0  }
0x4e: {  	s28 =	simm.s32 $0x180;
	s26 =	simm.s32 $0x400;
	[sflag:s14] =	ssyncadd.s32 $0xFFFFC180  }
.LBB2_4:
0x4f: {  	[tilespmem:s20], [sflag:$0x2] =	stream.indirect.gather [hbm4b:s1+s17], $0x80, s28, s17, $0xb8;
	[tilespmem:$0x1F0C0] =	vst v63  }
0x50: {  	s28 =	smov.u32 s26  }
0x51: {  	p1 =	sne.s32 s26, $0x13800;
	s26 =	sadd.s32 $0x400, s26;
	_ =	swait.ge [sflag:s21], $0x3E80  }
0x52: {  	s28 =	sshra.s32 s28, $0x2;
	[sflag:s21] =	ssyncset.done $0x0  }
0x53: {  	s29 =	sadd.s32 $0x5000, s28;
	[sflag:s21] =	ssyncadd.s32 $0xFFFFC180  }
0x54: {  	[spmem:s3] =	stream.indirect.scatter.add.f32 [tilespmem:s18], [sflag:$0x3], $0x80, s29, s17, $0xb8;
	[tilespmem:$0x1F0C0] =	vst v63  }
0x55: {  	_ =	swait.ge [sflag:s14], $0x3E80  }
0x56: {  	[sflag:s14] =	ssyncset.done $0x0  }
0x57: {  	s29 =	sadd.s32 $0x100, s28;
	[sflag:s14] =	ssyncadd.s32 $0xFFFFC180  }
0x58: {  	[tilespmem:s18], [sflag:$0x1] =	stream.indirect.gather [hbm4b:s1+s17], $0x80, s29, s17, $0xb8;
	[tilespmem:$0x1F0C0] =	vst v63  }
0x59: {  	_ =	swait.ge [sflag:s22], $0x3E80  }
0x5a: {  	[sflag:s22] =	ssyncset.done $0x0  }
.Ltmp1:
0x5b: {  	s29 =	sadd.s32 $0x5080, s28;
	[sflag:s22] =	ssyncadd.s32 $0xFFFFC180;
	(pc) =	sbr.rel @p1 .LBB2_4-.Ltmp1, $4  }
0x5c: {  	[spmem:s3] =	stream.indirect.scatter.add.f32 [tilespmem:s20], [sflag:$0x3], $0x80, s29, s17, $0xb8;
	[tilespmem:$0x1F0C0] =	vst v63  }
0x5d: {  	_ =	swait.ge [sflag:s14], $0x3E80  }
0x5e: {  	[sflag:s14] =	ssyncset.done $0x0  }
0x5f: {  	s28 =	sadd.s32 $0x180, s28;
	[sflag:s14] =	ssyncadd.s32 $0xFFFFC180  }
0x60: {  	[tilespmem:s20], [sflag:$0x2] =	stream.indirect.gather [hbm4b:s1+s17], $0x80, s28, s17, $0xb8;
	[tilespmem:$0x1F0C0] =	vst v63  }
0x61: {  	_ =	swait.ge [sflag:s21], $0x3E80  }
0x62: {  	[sflag:s21] =	ssyncset.done $0x0  }
0x63: {  	[sflag:s21] =	ssyncadd.s32 $0xFFFFC180  }
0x64: {  	[spmem:s3] =	stream.indirect.scatter.add.f32 [tilespmem:s18], [sflag:$0x3], $0x80, s23, s17, $0xb8;
	[tilespmem:$0x1F0C0] =	vst v63  }
0x65: {  	_ =	swait.ge [sflag:s14], $0x3E80  }
0x66: {  	[sflag:s14] =	ssyncset.done $0x0  }
0x67: {  	[sflag:s14] =	ssyncadd.s32 $0xFFFFC180  }
0x68: {  	_ =	swait.ge [sflag:s22], $0x3E80  }
0x69: {  	[sflag:s22] =	ssyncset.done $0x0  }
0x6a: {  	[sflag:s22] =	ssyncadd.s32 $0xFFFFC180  }
0x6b: {  	[spmem:s3] =	stream.indirect.scatter.add.f32 [tilespmem:s20], [sflag:$0x3], $0x80, s24, s17, $0xb8;
	[tilespmem:$0x1F0C0] =	vst v63  }
0x6c: {  	_ =	swait.ge [sflag:s14], $0x3E80  }
0x6d: {  	[sflag:s14] =	ssyncset.done $0x0  }
0x6e: {  	s26 =	sshll.u32 s0, $0x6;
	[sflag:s14] =	ssyncadd.s32 $0xFFFFC180  }
0x6f: {  	s31 =	sshrl.u32 s8, $0x3;
	s26 =	sor.u32 $0x1C03, s26;
	[bflag:$0x0] =	sbarrier.arrive $0xFFFF  }
0x70: {  	[hbm:s9], [sflag:s26] =	dma.local [spmem:s31], $0x1380  }
0x71: {  	_ =	swait.ge [sflag:s14], $0x1380  }
0x72: {  	s25 =	sadd.s32 $0x1, s25;
	[sflag:s14] =	ssyncset.done $0x0  }
0x73: {  	s28 =	sshrl.u32 @!p0 s7, $0x3;
	p1 =	sne.s32 s25, s11;
	[sflag:s14] =	ssyncadd.s32 $0xFFFFEC80  }
0x74: {  	[hbm:s10], [sflag:s26] =	dma.local @!p0 [spmem:s28], $0x80  }
.Ltmp2:
0x75: {  	_ = 	snop;
	(pc) =	sbr.rel @p1 .LBB2_1-.Ltmp2, $4  }
0x76: {  	s26 =	simm.s32 @!p0 $0x3  }
0x77: {  	_ =	swait.ge @!p0 [sflag:s26], $0x80  }
0x78: {  	[sflag:s26] =	ssyncset.done @!p0 $0x0  }
0x79: {  	[sflag:s26] =	ssyncadd.s32 @!p0 $0xFFFFFF80  }
0x7a: {  	_ =	sfence.sel $0x180000  }
0x7b: {  	[bflag:$0x0] =	sbarrier.arrive $0xFFFF  }
0x7c: {  	p0 =	sne.s32 s0, $0x0;
	_ =	strace $0x90000050  }
0x7d: {  	s0 =	sadd.s32 @!p0 $0x100000, s2;
	[bflag:$0x2] =	sbarrier.arrive $0xFFFF  }
0x7e: {  	[sflag:s0] =	ssyncadd.tile.s32 @!p0 $0x1;
	_ =	shalt  }
.Lfunc_end2:
_tile_overlayer_lowered:
.L_overlay_start_2:
0x7f: {  	(tag) =	ssettag $0x2  }
0x80: {  	s0 =	rddreg [dreg:$0x0];
	s2 =	stileid.u32  }
0x81: {  	s1 =	rddreg [dreg:$0x1];
	p0 =	sne.s32 s2, $0x0  }
0x82: {  	s3 =	rddreg [dreg:$0x2];
	[bflag:$0x3] =	sbarrier.arrive $0xFFFF;
	s2 =	simm.s32 @!p0 $0x1C03  }
0x83: {  	[timem:s3], [sflag:s2] =	dma.local @!p0 [hbm:s0], s1  }
0x84: {  	s0 =	simm.s32 @!p0 $0x3  }
0x85: {  	_ =	swait.ge @!p0 [sflag:s0], s1  }
0x86: {  	s1 =	ssub.s32 @!p0 $0x0, s1;
	[sflag:s0] =	ssyncset.done @!p0 $0x0  }
0x87: {  	[sflag:s0] =	ssyncadd.s32 @!p0 s1  }
0x88: {  	[bflag:$0x3] =	sbarrier.arrive $0xFFFF  }
0x89: {  	_ =	shalt  }

</sc_bundles>
